<compile_context>
chip_gen: v7x
topology: tpu7x:2x2x1
jax: 0.10.2.dev20260603
libtpu: 0.0.44.dev20260713+nightly
codegen_flags: <defaults>
</compile_context>

<pallas_src>
import functools

import jax
import jax.numpy as jnp
from jax import lax
from jax.experimental import pallas as pl
from jax.experimental.pallas import tpu as pltpu
from jax.experimental.pallas import tpu_sc as plsc

N = 10000
D = 128
NC = 2
NS = 16
NW = NC * NS
CHUNK = 128
N_PAD = 10240
RPT = N_PAD // NS



def _deg_body(dst_hbm, z_hbm, ones_hbm, out_hbm, idx_v, ones_v, acc_sh):
    cid = lax.axis_index("c")
    sid = lax.axis_index("s")
    zb = sid * RPT
    pltpu.sync_copy(z_hbm.at[pl.ds(zb, RPT)], acc_sh.at[pl.ds(zb, RPT)])
    pltpu.sync_copy(ones_hbm, ones_v)
    pltpu.sync_copy(dst_hbm.at[cid, sid], idx_v)
    plsc.subcore_barrier()

    def step(j, carry):
        pltpu.sync_copy(ones_v, acc_sh.at[idx_v.at[j]], add=True)
        return carry

    lax.fori_loop(0, idx_v.shape[0], step, 0)
    plsc.subcore_barrier()
    pltpu.sync_copy(acc_sh.at[pl.ds(zb, RPT)], out_hbm.at[cid, pl.ds(zb, RPT)])


def _agg_body(hp_hbm, src_hbm, dst_hbm, out_hbm,
              sidx_v, didx_v, rows_v, acc_sh, sem):
    cid = lax.axis_index("c")
    sid = lax.axis_index("s")
    zb = sid * RPT

    def zrow(r, carry):
        for q in range(D // 16):
            rows_v[r, pl.ds(q * 16, 16)] = jnp.zeros((16,), jnp.float32)
        return carry

    lax.fori_loop(0, CHUNK, zrow, 0)
    for t in range(RPT // CHUNK):
        pltpu.sync_copy(rows_v, acc_sh.at[pl.ds(zb + t * CHUNK, CHUNK)])
    pltpu.sync_copy(src_hbm.at[cid, sid], sidx_v)
    pltpu.sync_copy(dst_hbm.at[cid, sid], didx_v)
    plsc.subcore_barrier()

    def step(j, carry):
        pltpu.async_copy(hp_hbm.at[sidx_v.at[j]], rows_v, sem).wait()
        pltpu.sync_copy(rows_v, acc_sh.at[didx_v.at[j]], add=True)
        return carry

    lax.fori_loop(0, sidx_v.shape[0], step, 0)
    plsc.subcore_barrier()
    pltpu.sync_copy(acc_sh.at[pl.ds(zb, RPT)], out_hbm.at[cid, pl.ds(zb, RPT)])



def _tc_pre(x_ref, w_ref, degp_ref, hp_ref, dis_ref):
    deg = degp_ref[0, :, 0] + degp_ref[1, :, 0] + 1.0
    dis = lax.rsqrt(deg)
    h = jnp.dot(x_ref[:, :], w_ref[:, :], preferred_element_type=jnp.float32)
    hp_ref[:, :] = h * dis[:, None]
    dis_ref[:, :] = dis[:, None]


def _tc_mid(agg_ref, hp_ref, dis_ref, b_ref, w_ref, out_ref):
    t = dis_ref[:, :] * (agg_ref[0] + agg_ref[1] + hp_ref[:, :]) + b_ref[:, :]
    t = jnp.where(t > 0, t, jnp.exp(t) - 1.0)
    out_ref[:, :] = (
        jnp.dot(t, w_ref[:, :], preferred_element_type=jnp.float32)
        * dis_ref[:, :])


def _tc_post(agg_ref, hp_ref, dis_ref, b_ref, out_ref):
    out_ref[:, :] = (
        dis_ref[:, :] * (agg_ref[0] + agg_ref[1] + hp_ref[:, :]) + b_ref[:, :])


_R = 2000
_G = N // _R


def _tc_pre_call(x, w, degp):
    return pl.pallas_call(
        _tc_pre,
        grid=(_G,),
        in_specs=[
            pl.BlockSpec((_R, D), lambda i: (i, 0)),
            pl.BlockSpec((D, D), lambda i: (0, 0)),
            pl.BlockSpec((NC, _R, 32), lambda i: (0, i, 0)),
        ],
        out_specs=[
            pl.BlockSpec((_R, D), lambda i: (i, 0)),
            pl.BlockSpec((_R, 1), lambda i: (i, 0)),
        ],
        out_shape=[
            jax.ShapeDtypeStruct((N, D), jnp.float32),
            jax.ShapeDtypeStruct((N, 1), jnp.float32),
        ],
    )(x, w, degp)


def _tc_mid_call(agg, hp, dis, b, w):
    return pl.pallas_call(
        _tc_mid,
        grid=(_G,),
        in_specs=[
            pl.BlockSpec((NC, _R, D), lambda i: (0, i, 0)),
            pl.BlockSpec((_R, D), lambda i: (i, 0)),
            pl.BlockSpec((_R, 1), lambda i: (i, 0)),
            pl.BlockSpec((1, D), lambda i: (0, 0)),
            pl.BlockSpec((D, D), lambda i: (0, 0)),
        ],
        out_specs=pl.BlockSpec((_R, D), lambda i: (i, 0)),
        out_shape=jax.ShapeDtypeStruct((N, D), jnp.float32),
    )(agg, hp, dis, b, w)


def _tc_post_call(agg, hp, dis, b):
    return pl.pallas_call(
        _tc_post,
        grid=(_G,),
        in_specs=[
            pl.BlockSpec((NC, _R, D), lambda i: (0, i, 0)),
            pl.BlockSpec((_R, D), lambda i: (i, 0)),
            pl.BlockSpec((_R, 1), lambda i: (i, 0)),
            pl.BlockSpec((1, D), lambda i: (0, 0)),
        ],
        out_specs=pl.BlockSpec((_R, D), lambda i: (i, 0)),
        out_shape=jax.ShapeDtypeStruct((N, D), jnp.float32),
    )(agg, hp, dis, b)



def kernel(x, edge_index, W1, b1, W2, b2, W3, b3):
    src = edge_index[0]
    dst = edge_index[1]
    e = src.shape[0]
    n_chunks = -(-e // (NW * CHUNK))
    pad = NW * CHUNK * n_chunks - e
    src_r = jnp.concatenate(
        [src, jnp.zeros((pad,), jnp.int32)]).reshape(NC, NS, n_chunks, CHUNK)
    pad_dst = N + (jnp.arange(pad, dtype=jnp.int32) % (N_PAD - N))
    dst_r = jnp.concatenate([dst, pad_dst]).reshape(NC, NS, n_chunks, CHUNK)

    z32 = jnp.zeros((N_PAD, 32), jnp.float32)
    o32 = jnp.ones((CHUNK, 32), jnp.float32)

    mesh = plsc.VectorSubcoreMesh(core_axis_name="c", subcore_axis_name="s",
                                  num_cores=NC, num_subcores=NS)

    deg_call = pl.kernel(
        _deg_body,
        out_type=jax.ShapeDtypeStruct((NC, N_PAD, 32), jnp.float32),
        mesh=mesh,
        scratch_types=[
            pltpu.VMEM((n_chunks, CHUNK), jnp.int32),
            pltpu.VMEM((CHUNK, 32), jnp.float32),
            pltpu.VMEM_SHARED((N_PAD, 32), jnp.float32),
        ],
    )

    agg_call = pl.kernel(
        _agg_body,
        out_type=jax.ShapeDtypeStruct((NC, N_PAD, D), jnp.float32),
        mesh=mesh,
        scratch_types=[
            pltpu.VMEM((n_chunks, CHUNK), jnp.int32),
            pltpu.VMEM((n_chunks, CHUNK), jnp.int32),
            pltpu.VMEM((CHUNK, D), jnp.float32),
            pltpu.VMEM_SHARED((N_PAD, D), jnp.float32),
            pltpu.SemaphoreType.DMA,
        ],
    )

    degp = deg_call(dst_r, z32, o32)
    hp1, dis = _tc_pre_call(x, W1, degp)
    agg1 = agg_call(hp1, src_r, dst_r)
    hp2 = _tc_mid_call(agg1, hp1, dis, b1.reshape(1, D), W2)
    agg2 = agg_call(hp2, src_r, dst_r)
    hp3 = _tc_mid_call(agg2, hp2, dis, b2.reshape(1, D), W3)
    agg3 = agg_call(hp3, src_r, dst_r)
    return _tc_post_call(agg3, hp3, dis, b3.reshape(1, D))

# --- scband reference (transcript-rebuilt; emitter-appended) ---
"""Pipeline reference for scband-graph-neural-network-18554258719469 (READ-ONLY COPY).

The authoritative reference and input builder live on the scoring server;
editing this copy changes nothing except your own understanding.
"""

import jax, jax.numpy as jnp
import numpy as np

N_NODES = 10000
D_IN = 128
D_HID = 128
D_OUT = 128
N_EDGES = 320000


def _glorot(key, shape):
    fan_in, fan_out = shape[0], shape[1]
    limit = float(np.sqrt(6.0 / (fan_in + fan_out)))
    return jax.random.uniform(key, shape, dtype=jnp.float32, minval=-limit, maxval=limit)


def setup_inputs(seed: int = 0) -> dict:
    key = jax.random.key(seed)
    ks = jax.random.split(key, 8)
    x = jax.random.normal(ks[0], (N_NODES, D_IN), dtype=jnp.float32)
    edge_index = jax.random.randint(ks[1], (2, N_EDGES), 0, N_NODES, dtype=jnp.int64 if jax.config.read('jax_enable_x64') else jnp.int32).astype(jnp.int32)
    W1 = _glorot(ks[2], (D_IN, D_HID))
    b1 = jnp.zeros((D_HID,), dtype=jnp.float32)
    W2 = _glorot(ks[3], (D_HID, D_HID))
    b2 = jnp.zeros((D_HID,), dtype=jnp.float32)
    W3 = _glorot(ks[4], (D_HID, D_OUT))
    b3 = jnp.zeros((D_OUT,), dtype=jnp.float32)
    return {"x": x, "edge_index": edge_index, "W1": W1, "b1": b1, "W2": W2, "b2": b2, "W3": W3, "b3": b3}


def _gcn_conv(x, edge_index, W, b):
    # GCNConv: out = D^{-1/2} (A + I) D^{-1/2} X W + b
    n = x.shape[0]
    loop = jnp.arange(n, dtype=edge_index.dtype)
    src = jnp.concatenate([edge_index[0], loop])
    dst = jnp.concatenate([edge_index[1], loop])
    deg = jnp.zeros((n,), dtype=jnp.float32).at[dst].add(1.0)
    deg_inv_sqrt = jnp.where(deg > 0, jax.lax.rsqrt(deg), 0.0)
    norm = deg_inv_sqrt[src] * deg_inv_sqrt[dst]
    h = x @ W
    msg = h[src] * norm[:, None]
    out = jax.ops.segment_sum(msg, dst, num_segments=n)
    return out + b


def reference(x, edge_index, W1, b1, W2, b2, W3, b3):
    # dropout is identity in eval mode
    h = jax.nn.elu(_gcn_conv(x, edge_index, W1, b1))
    h = jax.nn.elu(_gcn_conv(h, edge_index, W2, b2))
    out = _gcn_conv(h, edge_index, W3, b3)
    return out

if __name__ == "__main__":
    import jax
    _d = setup_inputs()
    print(jax.jit(kernel)(*tuple(_d.values())))

</pallas_src>

<mosaic_0001>
#map = affine_map<(d0, d1) -> (0, 0, 0, 0)>
#map1 = affine_map<(d0, d1) -> (0, 0)>
#map2 = affine_map<(d0, d1) -> (0, 0, 0)>
module attributes {stable_mosaic.version = 14 : i64} {
  func.func @_deg_body(%arg0: i32, %arg1: i32, %arg2: memref<2x16x79x128xi32, #tpu.memory_space<hbm>>, %arg3: memref<10240x32xf32, #tpu.memory_space<hbm>>, %arg4: memref<128x32xf32, #tpu.memory_space<hbm>>, %arg5: memref<2x10240x32xf32, #tpu.memory_space<hbm>>, %arg6: memref<79x128xi32, #tpu.memory_space<vmem>>, %arg7: memref<128x32xf32, #tpu.memory_space<vmem>>, %arg8: memref<10240x32xf32, #tpu.memory_space<vmem_shared>>) attributes {dimension_semantics = [#tpu.dimension_semantics<core_parallel>, #tpu.dimension_semantics<subcore_parallel>], iteration_bounds = array<i64: 2, 16>, scalar_prefetch = 0 : i64, scratch_operands = 3 : i64, tpu.core_type = #tpu.core_type<sc_vector_subcore>, window_params = [{transform_indices = #map}, {transform_indices = #map1}, {transform_indices = #map1}, {transform_indices = #map2}]} {
    %mul3A = arith.constant 640 : i32
    %mul3A_0 = arith.muli %arg1, %mul3A : i32
    "tpu.region"() ({
      %run_scoped3A = tpu.sem_alloc : memref<!tpu.dma_semaphore, #tpu.memory_space<semaphore_mem>>
      %dma_start3A = arith.constant 0 : i32
      %dma_start3A_7 = tpu.memref_slice %arg8[%mul3A_0, %dma_start3A] : memref<10240x32xf32, #tpu.memory_space<vmem_shared>> -> memref<640x32xf32, #tpu.memory_space<vmem_shared>>
      %dma_start3A_8 = arith.constant 0 : i32
      %dma_start3A_9 = tpu.memref_slice %arg3[%mul3A_0, %dma_start3A_8] : memref<10240x32xf32, #tpu.memory_space<hbm>> -> memref<640x32xf32, #tpu.memory_space<hbm>>
      tpu.enqueue_dma source(%dma_start3A_9 : memref<640x32xf32, #tpu.memory_space<hbm>>) target(%dma_start3A_7 : memref<640x32xf32, #tpu.memory_space<vmem_shared>>) target_semaphore(%run_scoped3A : memref<!tpu.dma_semaphore, #tpu.memory_space<semaphore_mem>>)
      %dma_wait3A = arith.constant 0 : i32
      %dma_wait3A_10 = tpu.memref_slice %arg8[%mul3A_0, %dma_wait3A] : memref<10240x32xf32, #tpu.memory_space<vmem_shared>> -> memref<640x32xf32, #tpu.memory_space<vmem_shared>>
      %dma_wait3A_11 = arith.constant 0 : i32
      %dma_wait3A_12 = tpu.memref_slice %arg3[%mul3A_0, %dma_wait3A_11] : memref<10240x32xf32, #tpu.memory_space<hbm>> -> memref<640x32xf32, #tpu.memory_space<hbm>>
      tpu.wait_dma2 semaphore(%run_scoped3A : memref<!tpu.dma_semaphore, #tpu.memory_space<semaphore_mem>>) src(%dma_wait3A_12 : memref<640x32xf32, #tpu.memory_space<hbm>>) dst(%dma_wait3A_10 : memref<640x32xf32, #tpu.memory_space<vmem_shared>>)
      tpu.yield
    }) : () -> ()
    "tpu.region"() ({
      %run_scoped3A = tpu.sem_alloc : memref<!tpu.dma_semaphore, #tpu.memory_space<semaphore_mem>>
      tpu.enqueue_dma source(%arg4 : memref<128x32xf32, #tpu.memory_space<hbm>>) target(%arg7 : memref<128x32xf32, #tpu.memory_space<vmem>>) target_semaphore(%run_scoped3A : memref<!tpu.dma_semaphore, #tpu.memory_space<semaphore_mem>>)
      tpu.wait_dma2 semaphore(%run_scoped3A : memref<!tpu.dma_semaphore, #tpu.memory_space<semaphore_mem>>) src(%arg4 : memref<128x32xf32, #tpu.memory_space<hbm>>) dst(%arg7 : memref<128x32xf32, #tpu.memory_space<vmem>>)
      tpu.yield
    }) : () -> ()
    "tpu.region"() ({
      %run_scoped3A = tpu.sem_alloc : memref<!tpu.dma_semaphore, #tpu.memory_space<semaphore_mem>>
      %dma_start3A = arith.constant 0 : i32
      %dma_start3A_7 = arith.constant 0 : i32
      %dma_start3A_8 = tpu.memref_slice %arg2[%arg0, %arg1, %dma_start3A, %dma_start3A_7] : memref<2x16x79x128xi32, #tpu.memory_space<hbm>> -> memref<1x1x79x128xi32, #tpu.memory_space<hbm>>
      %dma_start3A_9 = tpu.memref_squeeze %dma_start3A_8 : memref<1x1x79x128xi32, #tpu.memory_space<hbm>> -> memref<79x128xi32, #tpu.memory_space<hbm>>
      %dma_start3A_10 = arith.constant 0 : i32
      %dma_start3A_11 = arith.constant 0 : i32
      %dma_start3A_12 = tpu.memref_slice %arg2[%arg0, %arg1, %dma_start3A_10, %dma_start3A_11] : memref<2x16x79x128xi32, #tpu.memory_space<hbm>> -> memref<1x1x79x128xi32, #tpu.memory_space<hbm>>
      %dma_start3A_13 = tpu.memref_squeeze %dma_start3A_12 : memref<1x1x79x128xi32, #tpu.memory_space<hbm>> -> memref<79x128xi32, #tpu.memory_space<hbm>>
      tpu.enqueue_dma source(%dma_start3A_13 : memref<79x128xi32, #tpu.memory_space<hbm>>) target(%arg6 : memref<79x128xi32, #tpu.memory_space<vmem>>) target_semaphore(%run_scoped3A : memref<!tpu.dma_semaphore, #tpu.memory_space<semaphore_mem>>)
      %dma_wait3A = arith.constant 0 : i32
      %dma_wait3A_14 = arith.constant 0 : i32
      %dma_wait3A_15 = tpu.memref_slice %arg2[%arg0, %arg1, %dma_wait3A, %dma_wait3A_14] : memref<2x16x79x128xi32, #tpu.memory_space<hbm>> -> memref<1x1x79x128xi32, #tpu.memory_space<hbm>>
      %dma_wait3A_16 = tpu.memref_squeeze %dma_wait3A_15 : memref<1x1x79x128xi32, #tpu.memory_space<hbm>> -> memref<79x128xi32, #tpu.memory_space<hbm>>
      %dma_wait3A_17 = arith.constant 0 : i32
      %dma_wait3A_18 = arith.constant 0 : i32
      %dma_wait3A_19 = tpu.memref_slice %arg2[%arg0, %arg1, %dma_wait3A_17, %dma_wait3A_18] : memref<2x16x79x128xi32, #tpu.memory_space<hbm>> -> memref<1x1x79x128xi32, #tpu.memory_space<hbm>>
      %dma_wait3A_20 = tpu.memref_squeeze %dma_wait3A_19 : memref<1x1x79x128xi32, #tpu.memory_space<hbm>> -> memref<79x128xi32, #tpu.memory_space<hbm>>
      tpu.wait_dma2 semaphore(%run_scoped3A : memref<!tpu.dma_semaphore, #tpu.memory_space<semaphore_mem>>) src(%dma_wait3A_20 : memref<79x128xi32, #tpu.memory_space<hbm>>) dst(%arg6 : memref<79x128xi32, #tpu.memory_space<vmem>>)
      tpu.yield
    }) : () -> ()
    %barrier3A = arith.constant 0 : index
    tpu.barrier barrier_id(%barrier3A)
    %scan3A = arith.constant 0 : i32
    %scan3A_1 = arith.constant 0 : i32
    %scan3A_2 = arith.constant 79 : i32
    %scan3A_3 = arith.addi %scan3A_1, %scan3A_2 : i32
    %scan3A_4 = arith.constant 1 : i32
    scf.for %scan3A_7 = %scan3A_1 to %scan3A_3 step %scan3A_4  : i32 {
      "tpu.region"() ({
        %run_scoped3A = tpu.sem_alloc : memref<!tpu.dma_semaphore, #tpu.memory_space<semaphore_mem>>
        %dma_start3A = arith.constant 0 : i32
        %dma_start3A_8 = tpu.memref_slice %arg6[%scan3A_7, %dma_start3A] : memref<79x128xi32, #tpu.memory_space<vmem>> -> memref<1x128xi32, #tpu.memory_space<vmem>>
        %dma_start3A_9 = tpu.memref_squeeze %dma_start3A_8 : memref<1x128xi32, #tpu.memory_space<vmem>> -> memref<128xi32, #tpu.memory_space<vmem>>
        %dma_start3A_10 = arith.constant 0 : i32
        %dma_start3A_11 = arith.constant 0 : i32
        %dma_start3A_12 = tpu.memref_slice %arg8[%dma_start3A_10, %dma_start3A_11] : memref<10240x32xf32, #tpu.memory_space<vmem_shared>> -> memref<10240x32xf32, #tpu.memory_space<vmem_shared>>
        tpu.enqueue_indirect_dma source(%arg7 : memref<128x32xf32, #tpu.memory_space<vmem>>) target(%dma_start3A_12 : memref<10240x32xf32, #tpu.memory_space<vmem_shared>>) offsets(%dma_start3A_9 : memref<128xi32, #tpu.memory_space<vmem>>) semaphore(%run_scoped3A : memref<!tpu.dma_semaphore, #tpu.memory_space<semaphore_mem>>) {add = true}
        %dma_wait3A = arith.constant 0 : i32
        %dma_wait3A_13 = tpu.memref_slice %arg6[%scan3A_7, %dma_wait3A] : memref<79x128xi32, #tpu.memory_space<vmem>> -> memref<1x128xi32, #tpu.memory_space<vmem>>
        %dma_wait3A_14 = tpu.memref_squeeze %dma_wait3A_13 : memref<1x128xi32, #tpu.memory_space<vmem>> -> memref<128xi32, #tpu.memory_space<vmem>>
        %dma_wait3A_15 = arith.constant 0 : i32
        %dma_wait3A_16 = arith.constant 0 : i32
        %dma_wait3A_17 = tpu.memref_slice %arg8[%dma_wait3A_15, %dma_wait3A_16] : memref<10240x32xf32, #tpu.memory_space<vmem_shared>> -> memref<10240x32xf32, #tpu.memory_space<vmem_shared>>
        tpu.wait_indirect_dma semaphore(%run_scoped3A : memref<!tpu.dma_semaphore, #tpu.memory_space<semaphore_mem>>) src(%arg7 : memref<128x32xf32, #tpu.memory_space<vmem>>) dst(%dma_wait3A_17 : memref<10240x32xf32, #tpu.memory_space<vmem_shared>>)
        tpu.yield
      }) : () -> ()
    }
    %scan3A_5 = arith.constant 79 : i32
    %barrier3A_6 = arith.constant 0 : index
    tpu.barrier barrier_id(%barrier3A_6)
    "tpu.region"() ({
      %run_scoped3A = tpu.sem_alloc : memref<!tpu.dma_semaphore, #tpu.memory_space<semaphore_mem>>
      %dma_start3A = arith.constant 0 : i32
      %dma_start3A_7 = tpu.memref_slice %arg5[%arg0, %mul3A_0, %dma_start3A] : memref<2x10240x32xf32, #tpu.memory_space<hbm>> -> memref<1x640x32xf32, #tpu.memory_space<hbm>>
      %dma_start3A_8 = tpu.memref_squeeze %dma_start3A_7 : memref<1x640x32xf32, #tpu.memory_space<hbm>> -> memref<640x32xf32, #tpu.memory_space<hbm>>
      %dma_start3A_9 = arith.constant 0 : i32
      %dma_start3A_10 = tpu.memref_slice %arg8[%mul3A_0, %dma_start3A_9] : memref<10240x32xf32, #tpu.memory_space<vmem_shared>> -> memref<640x32xf32, #tpu.memory_space<vmem_shared>>
      tpu.enqueue_dma source(%dma_start3A_10 : memref<640x32xf32, #tpu.memory_space<vmem_shared>>) target(%dma_start3A_8 : memref<640x32xf32, #tpu.memory_space<hbm>>) target_semaphore(%run_scoped3A : memref<!tpu.dma_semaphore, #tpu.memory_space<semaphore_mem>>)
      %dma_wait3A = arith.constant 0 : i32
      %dma_wait3A_11 = tpu.memref_slice %arg5[%arg0, %mul3A_0, %dma_wait3A] : memref<2x10240x32xf32, #tpu.memory_space<hbm>> -> memref<1x640x32xf32, #tpu.memory_space<hbm>>
      %dma_wait3A_12 = tpu.memref_squeeze %dma_wait3A_11 : memref<1x640x32xf32, #tpu.memory_space<hbm>> -> memref<640x32xf32, #tpu.memory_space<hbm>>
      %dma_wait3A_13 = arith.constant 0 : i32
      %dma_wait3A_14 = tpu.memref_slice %arg8[%mul3A_0, %dma_wait3A_13] : memref<10240x32xf32, #tpu.memory_space<vmem_shared>> -> memref<640x32xf32, #tpu.memory_space<vmem_shared>>
      tpu.wait_dma2 semaphore(%run_scoped3A : memref<!tpu.dma_semaphore, #tpu.memory_space<semaphore_mem>>) src(%dma_wait3A_14 : memref<640x32xf32, #tpu.memory_space<vmem_shared>>) dst(%dma_wait3A_12 : memref<640x32xf32, #tpu.memory_space<hbm>>)
      tpu.yield
    }) : () -> ()
    return
  }
}

#map = affine_map<(d0, d1) -> (0, 0)>
#map1 = affine_map<(d0, d1) -> (0, 0, 0, 0)>
#map2 = affine_map<(d0, d1) -> (0, 0, 0)>
module attributes {stable_mosaic.version = 14 : i64} {
  func.func @_agg_body(%arg0: i32, %arg1: i32, %arg2: memref<10000x128xf32, #tpu.memory_space<hbm>>, %arg3: memref<2x16x79x128xi32, #tpu.memory_space<hbm>>, %arg4: memref<2x16x79x128xi32, #tpu.memory_space<hbm>>, %arg5: memref<2x10240x128xf32, #tpu.memory_space<hbm>>, %arg6: memref<79x128xi32, #tpu.memory_space<vmem>>, %arg7: memref<79x128xi32, #tpu.memory_space<vmem>>, %arg8: memref<128x128xf32, #tpu.memory_space<vmem>>, %arg9: memref<10240x128xf32, #tpu.memory_space<vmem_shared>>, %arg10: memref<!tpu.dma_semaphore, #tpu.memory_space<semaphore_mem>>) attributes {dimension_semantics = [#tpu.dimension_semantics<core_parallel>, #tpu.dimension_semantics<subcore_parallel>], iteration_bounds = array<i64: 2, 16>, scalar_prefetch = 0 : i64, scratch_operands = 5 : i64, tpu.core_type = #tpu.core_type<sc_vector_subcore>, window_params = [{transform_indices = #map}, {transform_indices = #map1}, {transform_indices = #map1}, {transform_indices = #map2}]} {
    %mul3A = arith.constant 640 : i32
    %mul3A_0 = arith.muli %arg1, %mul3A : i32
    %scan3A = arith.constant 0 : i32
    %scan3A_1 = arith.constant 0 : i32
    %scan3A_2 = arith.constant 128 : i32
    %scan3A_3 = arith.addi %scan3A_1, %scan3A_2 : i32
    %scan3A_4 = arith.constant 1 : i32
    scf.for %scan3A_22 = %scan3A_1 to %scan3A_3 step %scan3A_4  : i32 {
      %broadcast_in_dim3A = arith.constant 0.000000e+00 : f32
      %broadcast_in_dim3A_23 = vector.broadcast %broadcast_in_dim3A : f32 to vector<16xf32>
      %swap3A = arith.index_cast %scan3A_22 : i32 to index
      %swap3A_24 = arith.constant 0 : index
      %swap3A_25 = tpu.vector_load %arg8[%swap3A, %swap3A_24] {strides = array<i32>} : memref<128x128xf32, #tpu.memory_space<vmem>>, vector<1x16xf32>,
      %swap3A_26 = vector.shape_cast %swap3A_25 : vector<1x16xf32> to vector<16xf32>
      %swap3A_27 = vector.shape_cast %broadcast_in_dim3A_23 : vector<16xf32> to vector<1x16xf32>
      tpu.vector_store %arg8[%swap3A, %swap3A_24], %swap3A_27 {strides = array<i32>} : memref<128x128xf32, #tpu.memory_space<vmem>>, vector<1x16xf32>,
      %broadcast_in_dim3A_28 = arith.constant 0.000000e+00 : f32
      %broadcast_in_dim3A_29 = vector.broadcast %broadcast_in_dim3A_28 : f32 to vector<16xf32>
      %swap3A_30 = arith.index_cast %scan3A_22 : i32 to index
      %swap3A_31 = arith.constant 16 : index
      %swap3A_32 = tpu.vector_load %arg8[%swap3A_30, %swap3A_31] {strides = array<i32>} : memref<128x128xf32, #tpu.memory_space<vmem>>, vector<1x16xf32>,
      %swap3A_33 = vector.shape_cast %swap3A_32 : vector<1x16xf32> to vector<16xf32>
      %swap3A_34 = vector.shape_cast %broadcast_in_dim3A_29 : vector<16xf32> to vector<1x16xf32>
      tpu.vector_store %arg8[%swap3A_30, %swap3A_31], %swap3A_34 {strides = array<i32>} : memref<128x128xf32, #tpu.memory_space<vmem>>, vector<1x16xf32>,
      %broadcast_in_dim3A_35 = arith.constant 0.000000e+00 : f32
      %broadcast_in_dim3A_36 = vector.broadcast %broadcast_in_dim3A_35 : f32 to vector<16xf32>
      %swap3A_37 = arith.index_cast %scan3A_22 : i32 to index
      %swap3A_38 = arith.constant 32 : index
      %swap3A_39 = tpu.vector_load %arg8[%swap3A_37, %swap3A_38] {strides = array<i32>} : memref<128x128xf32, #tpu.memory_space<vmem>>, vector<1x16xf32>,
      %swap3A_40 = vector.shape_cast %swap3A_39 : vector<1x16xf32> to vector<16xf32>
      %swap3A_41 = vector.shape_cast %broadcast_in_dim3A_36 : vector<16xf32> to vector<1x16xf32>
      tpu.vector_store %arg8[%swap3A_37, %swap3A_38], %swap3A_41 {strides = array<i32>} : memref<128x128xf32, #tpu.memory_space<vmem>>, vector<1x16xf32>,
      %broadcast_in_dim3A_42 = arith.constant 0.000000e+00 : f32
      %broadcast_in_dim3A_43 = vector.broadcast %broadcast_in_dim3A_42 : f32 to vector<16xf32>
      %swap3A_44 = arith.index_cast %scan3A_22 : i32 to index
      %swap3A_45 = arith.constant 48 : index
      %swap3A_46 = tpu.vector_load %arg8[%swap3A_44, %swap3A_45] {strides = array<i32>} : memref<128x128xf32, #tpu.memory_space<vmem>>, vector<1x16xf32>,
      %swap3A_47 = vector.shape_cast %swap3A_46 : vector<1x16xf32> to vector<16xf32>
      %swap3A_48 = vector.shape_cast %broadcast_in_dim3A_43 : vector<16xf32> to vector<1x16xf32>
      tpu.vector_store %arg8[%swap3A_44, %swap3A_45], %swap3A_48 {strides = array<i32>} : memref<128x128xf32, #tpu.memory_space<vmem>>, vector<1x16xf32>,
      %broadcast_in_dim3A_49 = arith.constant 0.000000e+00 : f32
      %broadcast_in_dim3A_50 = vector.broadcast %broadcast_in_dim3A_49 : f32 to vector<16xf32>
      %swap3A_51 = arith.index_cast %scan3A_22 : i32 to index
      %swap3A_52 = arith.constant 64 : index
      %swap3A_53 = tpu.vector_load %arg8[%swap3A_51, %swap3A_52] {strides = array<i32>} : memref<128x128xf32, #tpu.memory_space<vmem>>, vector<1x16xf32>,
      %swap3A_54 = vector.shape_cast %swap3A_53 : vector<1x16xf32> to vector<16xf32>
      %swap3A_55 = vector.shape_cast %broadcast_in_dim3A_50 : vector<16xf32> to vector<1x16xf32>
      tpu.vector_store %arg8[%swap3A_51, %swap3A_52], %swap3A_55 {strides = array<i32>} : memref<128x128xf32, #tpu.memory_space<vmem>>, vector<1x16xf32>,
      %broadcast_in_dim3A_56 = arith.constant 0.000000e+00 : f32
      %broadcast_in_dim3A_57 = vector.broadcast %broadcast_in_dim3A_56 : f32 to vector<16xf32>
      %swap3A_58 = arith.index_cast %scan3A_22 : i32 to index
      %swap3A_59 = arith.constant 80 : index
      %swap3A_60 = tpu.vector_load %arg8[%swap3A_58, %swap3A_59] {strides = array<i32>} : memref<128x128xf32, #tpu.memory_space<vmem>>, vector<1x16xf32>,
      %swap3A_61 = vector.shape_cast %swap3A_60 : vector<1x16xf32> to vector<16xf32>
      %swap3A_62 = vector.shape_cast %broadcast_in_dim3A_57 : vector<16xf32> to vector<1x16xf32>
      tpu.vector_store %arg8[%swap3A_58, %swap3A_59], %swap3A_62 {strides = array<i32>} : memref<128x128xf32, #tpu.memory_space<vmem>>, vector<1x16xf32>,
      %broadcast_in_dim3A_63 = arith.constant 0.000000e+00 : f32
      %broadcast_in_dim3A_64 = vector.broadcast %broadcast_in_dim3A_63 : f32 to vector<16xf32>
      %swap3A_65 = arith.index_cast %scan3A_22 : i32 to index
      %swap3A_66 = arith.constant 96 : index
      %swap3A_67 = tpu.vector_load %arg8[%swap3A_65, %swap3A_66] {strides = array<i32>} : memref<128x128xf32, #tpu.memory_space<vmem>>, vector<1x16xf32>,
      %swap3A_68 = vector.shape_cast %swap3A_67 : vector<1x16xf32> to vector<16xf32>
      %swap3A_69 = vector.shape_cast %broadcast_in_dim3A_64 : vector<16xf32> to vector<1x16xf32>
      tpu.vector_store %arg8[%swap3A_65, %swap3A_66], %swap3A_69 {strides = array<i32>} : memref<128x128xf32, #tpu.memory_space<vmem>>, vector<1x16xf32>,
      %broadcast_in_dim3A_70 = arith.constant 0.000000e+00 : f32
      %broadcast_in_dim3A_71 = vector.broadcast %broadcast_in_dim3A_70 : f32 to vector<16xf32>
      %swap3A_72 = arith.index_cast %scan3A_22 : i32 to index
      %swap3A_73 = arith.constant 112 : index
      %swap3A_74 = tpu.vector_load %arg8[%swap3A_72, %swap3A_73] {strides = array<i32>} : memref<128x128xf32, #tpu.memory_space<vmem>>, vector<1x16xf32>,
      %swap3A_75 = vector.shape_cast %swap3A_74 : vector<1x16xf32> to vector<16xf32>
      %swap3A_76 = vector.shape_cast %broadcast_in_dim3A_71 : vector<16xf32> to vector<1x16xf32>
      tpu.vector_store %arg8[%swap3A_72, %swap3A_73], %swap3A_76 {strides = array<i32>} : memref<128x128xf32, #tpu.memory_space<vmem>>, vector<1x16xf32>,
    }
    %scan3A_5 = arith.constant 128 : i32
    %add3A = arith.constant 0 : i32
    %add3A_6 = arith.addi %mul3A_0, %add3A : i32
    "tpu.region"() ({
      %run_scoped3A = tpu.sem_alloc : memref<!tpu.dma_semaphore, #tpu.memory_space<semaphore_mem>>
      %dma_start3A = arith.constant 0 : i32
      %dma_start3A_22 = tpu.memref_slice %arg9[%add3A_6, %dma_start3A] : memref<10240x128xf32, #tpu.memory_space<vmem_shared>> -> memref<128x128xf32, #tpu.memory_space<vmem_shared>>
      %dma_start3A_23 = arith.constant 0 : i32
      %dma_start3A_24 = tpu.memref_slice %arg9[%add3A_6, %dma_start3A_23] : memref<10240x128xf32, #tpu.memory_space<vmem_shared>> -> memref<128x128xf32, #tpu.memory_space<vmem_shared>>
      tpu.enqueue_dma source(%arg8 : memref<128x128xf32, #tpu.memory_space<vmem>>) target(%dma_start3A_24 : memref<128x128xf32, #tpu.memory_space<vmem_shared>>) target_semaphore(%run_scoped3A : memref<!tpu.dma_semaphore, #tpu.memory_space<semaphore_mem>>)
      %dma_wait3A = arith.constant 0 : i32
      %dma_wait3A_25 = tpu.memref_slice %arg9[%add3A_6, %dma_wait3A] : memref<10240x128xf32, #tpu.memory_space<vmem_shared>> -> memref<128x128xf32, #tpu.memory_space<vmem_shared>>
      %dma_wait3A_26 = arith.constant 0 : i32
      %dma_wait3A_27 = tpu.memref_slice %arg9[%add3A_6, %dma_wait3A_26] : memref<10240x128xf32, #tpu.memory_space<vmem_shared>> -> memref<128x128xf32, #tpu.memory_space<vmem_shared>>
      tpu.wait_dma2 semaphore(%run_scoped3A : memref<!tpu.dma_semaphore, #tpu.memory_space<semaphore_mem>>) src(%arg8 : memref<128x128xf32, #tpu.memory_space<vmem>>) dst(%dma_wait3A_27 : memref<128x128xf32, #tpu.memory_space<vmem_shared>>)
      tpu.yield
    }) : () -> ()
    %add3A_7 = arith.constant 128 : i32
    %add3A_8 = arith.addi %mul3A_0, %add3A_7 : i32
    "tpu.region"() ({
      %run_scoped3A = tpu.sem_alloc : memref<!tpu.dma_semaphore, #tpu.memory_space<semaphore_mem>>
      %dma_start3A = arith.constant 0 : i32
      %dma_start3A_22 = tpu.memref_slice %arg9[%add3A_8, %dma_start3A] : memref<10240x128xf32, #tpu.memory_space<vmem_shared>> -> memref<128x128xf32, #tpu.memory_space<vmem_shared>>
      %dma_start3A_23 = arith.constant 0 : i32
      %dma_start3A_24 = tpu.memref_slice %arg9[%add3A_8, %dma_start3A_23] : memref<10240x128xf32, #tpu.memory_space<vmem_shared>> -> memref<128x128xf32, #tpu.memory_space<vmem_shared>>
      tpu.enqueue_dma source(%arg8 : memref<128x128xf32, #tpu.memory_space<vmem>>) target(%dma_start3A_24 : memref<128x128xf32, #tpu.memory_space<vmem_shared>>) target_semaphore(%run_scoped3A : memref<!tpu.dma_semaphore, #tpu.memory_space<semaphore_mem>>)
      %dma_wait3A = arith.constant 0 : i32
      %dma_wait3A_25 = tpu.memref_slice %arg9[%add3A_8, %dma_wait3A] : memref<10240x128xf32, #tpu.memory_space<vmem_shared>> -> memref<128x128xf32, #tpu.memory_space<vmem_shared>>
      %dma_wait3A_26 = arith.constant 0 : i32
      %dma_wait3A_27 = tpu.memref_slice %arg9[%add3A_8, %dma_wait3A_26] : memref<10240x128xf32, #tpu.memory_space<vmem_shared>> -> memref<128x128xf32, #tpu.memory_space<vmem_shared>>
      tpu.wait_dma2 semaphore(%run_scoped3A : memref<!tpu.dma_semaphore, #tpu.memory_space<semaphore_mem>>) src(%arg8 : memref<128x128xf32, #tpu.memory_space<vmem>>) dst(%dma_wait3A_27 : memref<128x128xf32, #tpu.memory_space<vmem_shared>>)
      tpu.yield
    }) : () -> ()
    %add3A_9 = arith.constant 256 : i32
    %add3A_10 = arith.addi %mul3A_0, %add3A_9 : i32
    "tpu.region"() ({
      %run_scoped3A = tpu.sem_alloc : memref<!tpu.dma_semaphore, #tpu.memory_space<semaphore_mem>>
      %dma_start3A = arith.constant 0 : i32
      %dma_start3A_22 = tpu.memref_slice %arg9[%add3A_10, %dma_start3A] : memref<10240x128xf32, #tpu.memory_space<vmem_shared>> -> memref<128x128xf32, #tpu.memory_space<vmem_shared>>
      %dma_start3A_23 = arith.constant 0 : i32
      %dma_start3A_24 = tpu.memref_slice %arg9[%add3A_10, %dma_start3A_23] : memref<10240x128xf32, #tpu.memory_space<vmem_shared>> -> memref<128x128xf32, #tpu.memory_space<vmem_shared>>
      tpu.enqueue_dma source(%arg8 : memref<128x128xf32, #tpu.memory_space<vmem>>) target(%dma_start3A_24 : memref<128x128xf32, #tpu.memory_space<vmem_shared>>) target_semaphore(%run_scoped3A : memref<!tpu.dma_semaphore, #tpu.memory_space<semaphore_mem>>)
      %dma_wait3A = arith.constant 0 : i32
      %dma_wait3A_25 = tpu.memref_slice %arg9[%add3A_10, %dma_wait3A] : memref<10240x128xf32, #tpu.memory_space<vmem_shared>> -> memref<128x128xf32, #tpu.memory_space<vmem_shared>>
      %dma_wait3A_26 = arith.constant 0 : i32
      %dma_wait3A_27 = tpu.memref_slice %arg9[%add3A_10, %dma_wait3A_26] : memref<10240x128xf32, #tpu.memory_space<vmem_shared>> -> memref<128x128xf32, #tpu.memory_space<vmem_shared>>
      tpu.wait_dma2 semaphore(%run_scoped3A : memref<!tpu.dma_semaphore, #tpu.memory_space<semaphore_mem>>) src(%arg8 : memref<128x128xf32, #tpu.memory_space<vmem>>) dst(%dma_wait3A_27 : memref<128x128xf32, #tpu.memory_space<vmem_shared>>)
      tpu.yield
    }) : () -> ()
    %add3A_11 = arith.constant 384 : i32
    %add3A_12 = arith.addi %mul3A_0, %add3A_11 : i32
    "tpu.region"() ({
      %run_scoped3A = tpu.sem_alloc : memref<!tpu.dma_semaphore, #tpu.memory_space<semaphore_mem>>
      %dma_start3A = arith.constant 0 : i32
      %dma_start3A_22 = tpu.memref_slice %arg9[%add3A_12, %dma_start3A] : memref<10240x128xf32, #tpu.memory_space<vmem_shared>> -> memref<128x128xf32, #tpu.memory_space<vmem_shared>>
      %dma_start3A_23 = arith.constant 0 : i32
      %dma_start3A_24 = tpu.memref_slice %arg9[%add3A_12, %dma_start3A_23] : memref<10240x128xf32, #tpu.memory_space<vmem_shared>> -> memref<128x128xf32, #tpu.memory_space<vmem_shared>>
      tpu.enqueue_dma source(%arg8 : memref<128x128xf32, #tpu.memory_space<vmem>>) target(%dma_start3A_24 : memref<128x128xf32, #tpu.memory_space<vmem_shared>>) target_semaphore(%run_scoped3A : memref<!tpu.dma_semaphore, #tpu.memory_space<semaphore_mem>>)
      %dma_wait3A = arith.constant 0 : i32
      %dma_wait3A_25 = tpu.memref_slice %arg9[%add3A_12, %dma_wait3A] : memref<10240x128xf32, #tpu.memory_space<vmem_shared>> -> memref<128x128xf32, #tpu.memory_space<vmem_shared>>
      %dma_wait3A_26 = arith.constant 0 : i32
      %dma_wait3A_27 = tpu.memref_slice %arg9[%add3A_12, %dma_wait3A_26] : memref<10240x128xf32, #tpu.memory_space<vmem_shared>> -> memref<128x128xf32, #tpu.memory_space<vmem_shared>>
      tpu.wait_dma2 semaphore(%run_scoped3A : memref<!tpu.dma_semaphore, #tpu.memory_space<semaphore_mem>>) src(%arg8 : memref<128x128xf32, #tpu.memory_space<vmem>>) dst(%dma_wait3A_27 : memref<128x128xf32, #tpu.memory_space<vmem_shared>>)
      tpu.yield
    }) : () -> ()
    %add3A_13 = arith.constant 512 : i32
    %add3A_14 = arith.addi %mul3A_0, %add3A_13 : i32
    "tpu.region"() ({
      %run_scoped3A = tpu.sem_alloc : memref<!tpu.dma_semaphore, #tpu.memory_space<semaphore_mem>>
      %dma_start3A = arith.constant 0 : i32
      %dma_start3A_22 = tpu.memref_slice %arg9[%add3A_14, %dma_start3A] : memref<10240x128xf32, #tpu.memory_space<vmem_shared>> -> memref<128x128xf32, #tpu.memory_space<vmem_shared>>
      %dma_start3A_23 = arith.constant 0 : i32
      %dma_start3A_24 = tpu.memref_slice %arg9[%add3A_14, %dma_start3A_23] : memref<10240x128xf32, #tpu.memory_space<vmem_shared>> -> memref<128x128xf32, #tpu.memory_space<vmem_shared>>
      tpu.enqueue_dma source(%arg8 : memref<128x128xf32, #tpu.memory_space<vmem>>) target(%dma_start3A_24 : memref<128x128xf32, #tpu.memory_space<vmem_shared>>) target_semaphore(%run_scoped3A : memref<!tpu.dma_semaphore, #tpu.memory_space<semaphore_mem>>)
      %dma_wait3A = arith.constant 0 : i32
      %dma_wait3A_25 = tpu.memref_slice %arg9[%add3A_14, %dma_wait3A] : memref<10240x128xf32, #tpu.memory_space<vmem_shared>> -> memref<128x128xf32, #tpu.memory_space<vmem_shared>>
      %dma_wait3A_26 = arith.constant 0 : i32
      %dma_wait3A_27 = tpu.memref_slice %arg9[%add3A_14, %dma_wait3A_26] : memref<10240x128xf32, #tpu.memory_space<vmem_shared>> -> memref<128x128xf32, #tpu.memory_space<vmem_shared>>
      tpu.wait_dma2 semaphore(%run_scoped3A : memref<!tpu.dma_semaphore, #tpu.memory_space<semaphore_mem>>) src(%arg8 : memref<128x128xf32, #tpu.memory_space<vmem>>) dst(%dma_wait3A_27 : memref<128x128xf32, #tpu.memory_space<vmem_shared>>)
      tpu.yield
    }) : () -> ()
    "tpu.region"() ({
      %run_scoped3A = tpu.sem_alloc : memref<!tpu.dma_semaphore, #tpu.memory_space<semaphore_mem>>
      %dma_start3A = arith.constant 0 : i32
      %dma_start3A_22 = arith.constant 0 : i32
      %dma_start3A_23 = tpu.memref_slice %arg3[%arg0, %arg1, %dma_start3A, %dma_start3A_22] : memref<2x16x79x128xi32, #tpu.memory_space<hbm>> -> memref<1x1x79x128xi32, #tpu.memory_space<hbm>>
      %dma_start3A_24 = tpu.memref_squeeze %dma_start3A_23 : memref<1x1x79x128xi32, #tpu.memory_space<hbm>> -> memref<79x128xi32, #tpu.memory_space<hbm>>
      %dma_start3A_25 = arith.constant 0 : i32
      %dma_start3A_26 = arith.constant 0 : i32
      %dma_start3A_27 = tpu.memref_slice %arg3[%arg0, %arg1, %dma_start3A_25, %dma_start3A_26] : memref<2x16x79x128xi32, #tpu.memory_space<hbm>> -> memref<1x1x79x128xi32, #tpu.memory_space<hbm>>
      %dma_start3A_28 = tpu.memref_squeeze %dma_start3A_27 : memref<1x1x79x128xi32, #tpu.memory_space<hbm>> -> memref<79x128xi32, #tpu.memory_space<hbm>>
      tpu.enqueue_dma source(%dma_start3A_28 : memref<79x128xi32, #tpu.memory_space<hbm>>) target(%arg6 : memref<79x128xi32, #tpu.memory_space<vmem>>) target_semaphore(%run_scoped3A : memref<!tpu.dma_semaphore, #tpu.memory_space<semaphore_mem>>)
      %dma_wait3A = arith.constant 0 : i32
      %dma_wait3A_29 = arith.constant 0 : i32
      %dma_wait3A_30 = tpu.memref_slice %arg3[%arg0, %arg1, %dma_wait3A, %dma_wait3A_29] : memref<2x16x79x128xi32, #tpu.memory_space<hbm>> -> memref<1x1x79x128xi32, #tpu.memory_space<hbm>>
      %dma_wait3A_31 = tpu.memref_squeeze %dma_wait3A_30 : memref<1x1x79x128xi32, #tpu.memory_space<hbm>> -> memref<79x128xi32, #tpu.memory_space<hbm>>
      %dma_wait3A_32 = arith.constant 0 : i32
      %dma_wait3A_33 = arith.constant 0 : i32
      %dma_wait3A_34 = tpu.memref_slice %arg3[%arg0, %arg1, %dma_wait3A_32, %dma_wait3A_33] : memref<2x16x79x128xi32, #tpu.memory_space<hbm>> -> memref<1x1x79x128xi32, #tpu.memory_space<hbm>>
      %dma_wait3A_35 = tpu.memref_squeeze %dma_wait3A_34 : memref<1x1x79x128xi32, #tpu.memory_space<hbm>> -> memref<79x128xi32, #tpu.memory_space<hbm>>
      tpu.wait_dma2 semaphore(%run_scoped3A : memref<!tpu.dma_semaphore, #tpu.memory_space<semaphore_mem>>) src(%dma_wait3A_35 : memref<79x128xi32, #tpu.memory_space<hbm>>) dst(%arg6 : memref<79x128xi32, #tpu.memory_space<vmem>>)
      tpu.yield
    }) : () -> ()
    "tpu.region"() ({
      %run_scoped3A = tpu.sem_alloc : memref<!tpu.dma_semaphore, #tpu.memory_space<semaphore_mem>>
      %dma_start3A = arith.constant 0 : i32
      %dma_start3A_22 = arith.constant 0 : i32
      %dma_start3A_23 = tpu.memref_slice %arg4[%arg0, %arg1, %dma_start3A, %dma_start3A_22] : memref<2x16x79x128xi32, #tpu.memory_space<hbm>> -> memref<1x1x79x128xi32, #tpu.memory_space<hbm>>
      %dma_start3A_24 = tpu.memref_squeeze %dma_start3A_23 : memref<1x1x79x128xi32, #tpu.memory_space<hbm>> -> memref<79x128xi32, #tpu.memory_space<hbm>>
      %dma_start3A_25 = arith.constant 0 : i32
      %dma_start3A_26 = arith.constant 0 : i32
      %dma_start3A_27 = tpu.memref_slice %arg4[%arg0, %arg1, %dma_start3A_25, %dma_start3A_26] : memref<2x16x79x128xi32, #tpu.memory_space<hbm>> -> memref<1x1x79x128xi32, #tpu.memory_space<hbm>>
      %dma_start3A_28 = tpu.memref_squeeze %dma_start3A_27 : memref<1x1x79x128xi32, #tpu.memory_space<hbm>> -> memref<79x128xi32, #tpu.memory_space<hbm>>
      tpu.enqueue_dma source(%dma_start3A_28 : memref<79x128xi32, #tpu.memory_space<hbm>>) target(%arg7 : memref<79x128xi32, #tpu.memory_space<vmem>>) target_semaphore(%run_scoped3A : memref<!tpu.dma_semaphore, #tpu.memory_space<semaphore_mem>>)
      %dma_wait3A = arith.constant 0 : i32
      %dma_wait3A_29 = arith.constant 0 : i32
      %dma_wait3A_30 = tpu.memref_slice %arg4[%arg0, %arg1, %dma_wait3A, %dma_wait3A_29] : memref<2x16x79x128xi32, #tpu.memory_space<hbm>> -> memref<1x1x79x128xi32, #tpu.memory_space<hbm>>
      %dma_wait3A_31 = tpu.memref_squeeze %dma_wait3A_30 : memref<1x1x79x128xi32, #tpu.memory_space<hbm>> -> memref<79x128xi32, #tpu.memory_space<hbm>>
      %dma_wait3A_32 = arith.constant 0 : i32
      %dma_wait3A_33 = arith.constant 0 : i32
      %dma_wait3A_34 = tpu.memref_slice %arg4[%arg0, %arg1, %dma_wait3A_32, %dma_wait3A_33] : memref<2x16x79x128xi32, #tpu.memory_space<hbm>> -> memref<1x1x79x128xi32, #tpu.memory_space<hbm>>
      %dma_wait3A_35 = tpu.memref_squeeze %dma_wait3A_34 : memref<1x1x79x128xi32, #tpu.memory_space<hbm>> -> memref<79x128xi32, #tpu.memory_space<hbm>>
      tpu.wait_dma2 semaphore(%run_scoped3A : memref<!tpu.dma_semaphore, #tpu.memory_space<semaphore_mem>>) src(%dma_wait3A_35 : memref<79x128xi32, #tpu.memory_space<hbm>>) dst(%arg7 : memref<79x128xi32, #tpu.memory_space<vmem>>)
      tpu.yield
    }) : () -> ()
    %barrier3A = arith.constant 0 : index
    tpu.barrier barrier_id(%barrier3A)
    %scan3A_15 = arith.constant 0 : i32
    %scan3A_16 = arith.constant 0 : i32
    %scan3A_17 = arith.constant 79 : i32
    %scan3A_18 = arith.addi %scan3A_16, %scan3A_17 : i32
    %scan3A_19 = arith.constant 1 : i32
    scf.for %scan3A_22 = %scan3A_16 to %scan3A_18 step %scan3A_19  : i32 {
      %dma_start3A = arith.constant 0 : i32
      %dma_start3A_23 = tpu.memref_slice %arg6[%scan3A_22, %dma_start3A] : memref<79x128xi32, #tpu.memory_space<vmem>> -> memref<1x128xi32, #tpu.memory_space<vmem>>
      %dma_start3A_24 = tpu.memref_squeeze %dma_start3A_23 : memref<1x128xi32, #tpu.memory_space<vmem>> -> memref<128xi32, #tpu.memory_space<vmem>>
      %dma_start3A_25 = arith.constant 0 : i32
      %dma_start3A_26 = arith.constant 0 : i32
      %dma_start3A_27 = tpu.memref_slice %arg2[%dma_start3A_25, %dma_start3A_26] : memref<10000x128xf32, #tpu.memory_space<hbm>> -> memref<10000x128xf32, #tpu.memory_space<hbm>>
      tpu.enqueue_indirect_dma source(%dma_start3A_27 : memref<10000x128xf32, #tpu.memory_space<hbm>>) target(%arg8 : memref<128x128xf32, #tpu.memory_space<vmem>>) offsets(%dma_start3A_24 : memref<128xi32, #tpu.memory_space<vmem>>) semaphore(%arg10 : memref<!tpu.dma_semaphore, #tpu.memory_space<semaphore_mem>>)
      %dma_wait3A = arith.constant 0 : i32
      %dma_wait3A_28 = tpu.memref_slice %arg6[%scan3A_22, %dma_wait3A] : memref<79x128xi32, #tpu.memory_space<vmem>> -> memref<1x128xi32, #tpu.memory_space<vmem>>
      %dma_wait3A_29 = tpu.memref_squeeze %dma_wait3A_28 : memref<1x128xi32, #tpu.memory_space<vmem>> -> memref<128xi32, #tpu.memory_space<vmem>>
      %dma_wait3A_30 = arith.constant 0 : i32
      %dma_wait3A_31 = arith.constant 0 : i32
      %dma_wait3A_32 = tpu.memref_slice %arg2[%dma_wait3A_30, %dma_wait3A_31] : memref<10000x128xf32, #tpu.memory_space<hbm>> -> memref<10000x128xf32, #tpu.memory_space<hbm>>
      tpu.wait_indirect_dma semaphore(%arg10 : memref<!tpu.dma_semaphore, #tpu.memory_space<semaphore_mem>>) src(%dma_wait3A_32 : memref<10000x128xf32, #tpu.memory_space<hbm>>) dst(%arg8 : memref<128x128xf32, #tpu.memory_space<vmem>>)
      "tpu.region"() ({
        %run_scoped3A = tpu.sem_alloc : memref<!tpu.dma_semaphore, #tpu.memory_space<semaphore_mem>>
        %dma_start3A_33 = arith.constant 0 : i32
        %dma_start3A_34 = tpu.memref_slice %arg7[%scan3A_22, %dma_start3A_33] : memref<79x128xi32, #tpu.memory_space<vmem>> -> memref<1x128xi32, #tpu.memory_space<vmem>>
        %dma_start3A_35 = tpu.memref_squeeze %dma_start3A_34 : memref<1x128xi32, #tpu.memory_space<vmem>> -> memref<128xi32, #tpu.memory_space<vmem>>
        %dma_start3A_36 = arith.constant 0 : i32
        %dma_start3A_37 = arith.constant 0 : i32
        %dma_start3A_38 = tpu.memref_slice %arg9[%dma_start3A_36, %dma_start3A_37] : memref<10240x128xf32, #tpu.memory_space<vmem_shared>> -> memref<10240x128xf32, #tpu.memory_space<vmem_shared>>
        tpu.enqueue_indirect_dma source(%arg8 : memref<128x128xf32, #tpu.memory_space<vmem>>) target(%dma_start3A_38 : memref<10240x128xf32, #tpu.memory_space<vmem_shared>>) offsets(%dma_start3A_35 : memref<128xi32, #tpu.memory_space<vmem>>) semaphore(%run_scoped3A : memref<!tpu.dma_semaphore, #tpu.memory_space<semaphore_mem>>) {add = true}
        %dma_wait3A_39 = arith.constant 0 : i32
        %dma_wait3A_40 = tpu.memref_slice %arg7[%scan3A_22, %dma_wait3A_39] : memref<79x128xi32, #tpu.memory_space<vmem>> -> memref<1x128xi32, #tpu.memory_space<vmem>>
        %dma_wait3A_41 = tpu.memref_squeeze %dma_wait3A_40 : memref<1x128xi32, #tpu.memory_space<vmem>> -> memref<128xi32, #tpu.memory_space<vmem>>
        %dma_wait3A_42 = arith.constant 0 : i32
        %dma_wait3A_43 = arith.constant 0 : i32
        %dma_wait3A_44 = tpu.memref_slice %arg9[%dma_wait3A_42, %dma_wait3A_43] : memref<10240x128xf32, #tpu.memory_space<vmem_shared>> -> memref<10240x128xf32, #tpu.memory_space<vmem_shared>>
        tpu.wait_indirect_dma semaphore(%run_scoped3A : memref<!tpu.dma_semaphore, #tpu.memory_space<semaphore_mem>>) src(%arg8 : memref<128x128xf32, #tpu.memory_space<vmem>>) dst(%dma_wait3A_44 : memref<10240x128xf32, #tpu.memory_space<vmem_shared>>)
        tpu.yield
      }) : () -> ()
    }
    %scan3A_20 = arith.constant 79 : i32
    %barrier3A_21 = arith.constant 0 : index
    tpu.barrier barrier_id(%barrier3A_21)
    "tpu.region"() ({
      %run_scoped3A = tpu.sem_alloc : memref<!tpu.dma_semaphore, #tpu.memory_space<semaphore_mem>>
      %dma_start3A = arith.constant 0 : i32
      %dma_start3A_22 = tpu.memref_slice %arg5[%arg0, %mul3A_0, %dma_start3A] : memref<2x10240x128xf32, #tpu.memory_space<hbm>> -> memref<1x640x128xf32, #tpu.memory_space<hbm>>
      %dma_start3A_23 = tpu.memref_squeeze %dma_start3A_22 : memref<1x640x128xf32, #tpu.memory_space<hbm>> -> memref<640x128xf32, #tpu.memory_space<hbm>>
      %dma_start3A_24 = arith.constant 0 : i32
      %dma_start3A_25 = tpu.memref_slice %arg9[%mul3A_0, %dma_start3A_24] : memref<10240x128xf32, #tpu.memory_space<vmem_shared>> -> memref<640x128xf32, #tpu.memory_space<vmem_shared>>
      tpu.enqueue_dma source(%dma_start3A_25 : memref<640x128xf32, #tpu.memory_space<vmem_shared>>) target(%dma_start3A_23 : memref<640x128xf32, #tpu.memory_space<hbm>>) target_semaphore(%run_scoped3A : memref<!tpu.dma_semaphore, #tpu.memory_space<semaphore_mem>>)
      %dma_wait3A = arith.constant 0 : i32
      %dma_wait3A_26 = tpu.memref_slice %arg5[%arg0, %mul3A_0, %dma_wait3A] : memref<2x10240x128xf32, #tpu.memory_space<hbm>> -> memref<1x640x128xf32, #tpu.memory_space<hbm>>
      %dma_wait3A_27 = tpu.memref_squeeze %dma_wait3A_26 : memref<1x640x128xf32, #tpu.memory_space<hbm>> -> memref<640x128xf32, #tpu.memory_space<hbm>>
      %dma_wait3A_28 = arith.constant 0 : i32
      %dma_wait3A_29 = tpu.memref_slice %arg9[%mul3A_0, %dma_wait3A_28] : memref<10240x128xf32, #tpu.memory_space<vmem_shared>> -> memref<640x128xf32, #tpu.memory_space<vmem_shared>>
      tpu.wait_dma2 semaphore(%run_scoped3A : memref<!tpu.dma_semaphore, #tpu.memory_space<semaphore_mem>>) src(%dma_wait3A_29 : memref<640x128xf32, #tpu.memory_space<vmem_shared>>) dst(%dma_wait3A_27 : memref<640x128xf32, #tpu.memory_space<hbm>>)
      tpu.yield
    }) : () -> ()
    return
  }
}

#map = affine_map<(d0, d1) -> (0, 0)>
#map1 = affine_map<(d0, d1) -> (0, 0, 0, 0)>
#map2 = affine_map<(d0, d1) -> (0, 0, 0)>
module attributes {stable_mosaic.version = 14 : i64} {
  func.func @_agg_body(%arg0: i32, %arg1: i32, %arg2: memref<10000x128xf32, #tpu.memory_space<hbm>>, %arg3: memref<2x16x79x128xi32, #tpu.memory_space<hbm>>, %arg4: memref<2x16x79x128xi32, #tpu.memory_space<hbm>>, %arg5: memref<2x10240x128xf32, #tpu.memory_space<hbm>>, %arg6: memref<79x128xi32, #tpu.memory_space<vmem>>, %arg7: memref<79x128xi32, #tpu.memory_space<vmem>>, %arg8: memref<128x128xf32, #tpu.memory_space<vmem>>, %arg9: memref<10240x128xf32, #tpu.memory_space<vmem_shared>>, %arg10: memref<!tpu.dma_semaphore, #tpu.memory_space<semaphore_mem>>) attributes {dimension_semantics = [#tpu.dimension_semantics<core_parallel>, #tpu.dimension_semantics<subcore_parallel>], iteration_bounds = array<i64: 2, 16>, scalar_prefetch = 0 : i64, scratch_operands = 5 : i64, tpu.core_type = #tpu.core_type<sc_vector_subcore>, window_params = [{transform_indices = #map}, {transform_indices = #map1}, {transform_indices = #map1}, {transform_indices = #map2}]} {
    %mul3A = arith.constant 640 : i32
    %mul3A_0 = arith.muli %arg1, %mul3A : i32
    %scan3A = arith.constant 0 : i32
    %scan3A_1 = arith.constant 0 : i32
    %scan3A_2 = arith.constant 128 : i32
    %scan3A_3 = arith.addi %scan3A_1, %scan3A_2 : i32
    %scan3A_4 = arith.constant 1 : i32
    scf.for %scan3A_22 = %scan3A_1 to %scan3A_3 step %scan3A_4  : i32 {
      %broadcast_in_dim3A = arith.constant 0.000000e+00 : f32
      %broadcast_in_dim3A_23 = vector.broadcast %broadcast_in_dim3A : f32 to vector<16xf32>
      %swap3A = arith.index_cast %scan3A_22 : i32 to index
      %swap3A_24 = arith.constant 0 : index
      %swap3A_25 = tpu.vector_load %arg8[%swap3A, %swap3A_24] {strides = array<i32>} : memref<128x128xf32, #tpu.memory_space<vmem>>, vector<1x16xf32>,
      %swap3A_26 = vector.shape_cast %swap3A_25 : vector<1x16xf32> to vector<16xf32>
      %swap3A_27 = vector.shape_cast %broadcast_in_dim3A_23 : vector<16xf32> to vector<1x16xf32>
      tpu.vector_store %arg8[%swap3A, %swap3A_24], %swap3A_27 {strides = array<i32>} : memref<128x128xf32, #tpu.memory_space<vmem>>, vector<1x16xf32>,
      %broadcast_in_dim3A_28 = arith.constant 0.000000e+00 : f32
      %broadcast_in_dim3A_29 = vector.broadcast %broadcast_in_dim3A_28 : f32 to vector<16xf32>
      %swap3A_30 = arith.index_cast %scan3A_22 : i32 to index
      %swap3A_31 = arith.constant 16 : index
      %swap3A_32 = tpu.vector_load %arg8[%swap3A_30, %swap3A_31] {strides = array<i32>} : memref<128x128xf32, #tpu.memory_space<vmem>>, vector<1x16xf32>,
      %swap3A_33 = vector.shape_cast %swap3A_32 : vector<1x16xf32> to vector<16xf32>
      %swap3A_34 = vector.shape_cast %broadcast_in_dim3A_29 : vector<16xf32> to vector<1x16xf32>
      tpu.vector_store %arg8[%swap3A_30, %swap3A_31], %swap3A_34 {strides = array<i32>} : memref<128x128xf32, #tpu.memory_space<vmem>>, vector<1x16xf32>,
      %broadcast_in_dim3A_35 = arith.constant 0.000000e+00 : f32
      %broadcast_in_dim3A_36 = vector.broadcast %broadcast_in_dim3A_35 : f32 to vector<16xf32>
      %swap3A_37 = arith.index_cast %scan3A_22 : i32 to index
      %swap3A_38 = arith.constant 32 : index
      %swap3A_39 = tpu.vector_load %arg8[%swap3A_37, %swap3A_38] {strides = array<i32>} : memref<128x128xf32, #tpu.memory_space<vmem>>, vector<1x16xf32>,
      %swap3A_40 = vector.shape_cast %swap3A_39 : vector<1x16xf32> to vector<16xf32>
      %swap3A_41 = vector.shape_cast %broadcast_in_dim3A_36 : vector<16xf32> to vector<1x16xf32>
      tpu.vector_store %arg8[%swap3A_37, %swap3A_38], %swap3A_41 {strides = array<i32>} : memref<128x128xf32, #tpu.memory_space<vmem>>, vector<1x16xf32>,
      %broadcast_in_dim3A_42 = arith.constant 0.000000e+00 : f32
      %broadcast_in_dim3A_43 = vector.broadcast %broadcast_in_dim3A_42 : f32 to vector<16xf32>
      %swap3A_44 = arith.index_cast %scan3A_22 : i32 to index
      %swap3A_45 = arith.constant 48 : index
      %swap3A_46 = tpu.vector_load %arg8[%swap3A_44, %swap3A_45] {strides = array<i32>} : memref<128x128xf32, #tpu.memory_space<vmem>>, vector<1x16xf32>,
      %swap3A_47 = vector.shape_cast %swap3A_46 : vector<1x16xf32> to vector<16xf32>
      %swap3A_48 = vector.shape_cast %broadcast_in_dim3A_43 : vector<16xf32> to vector<1x16xf32>
      tpu.vector_store %arg8[%swap3A_44, %swap3A_45], %swap3A_48 {strides = array<i32>} : memref<128x128xf32, #tpu.memory_space<vmem>>, vector<1x16xf32>,
      %broadcast_in_dim3A_49 = arith.constant 0.000000e+00 : f32
      %broadcast_in_dim3A_50 = vector.broadcast %broadcast_in_dim3A_49 : f32 to vector<16xf32>
      %swap3A_51 = arith.index_cast %scan3A_22 : i32 to index
      %swap3A_52 = arith.constant 64 : index
      %swap3A_53 = tpu.vector_load %arg8[%swap3A_51, %swap3A_52] {strides = array<i32>} : memref<128x128xf32, #tpu.memory_space<vmem>>, vector<1x16xf32>,
      %swap3A_54 = vector.shape_cast %swap3A_53 : vector<1x16xf32> to vector<16xf32>
      %swap3A_55 = vector.shape_cast %broadcast_in_dim3A_50 : vector<16xf32> to vector<1x16xf32>
      tpu.vector_store %arg8[%swap3A_51, %swap3A_52], %swap3A_55 {strides = array<i32>} : memref<128x128xf32, #tpu.memory_space<vmem>>, vector<1x16xf32>,
      %broadcast_in_dim3A_56 = arith.constant 0.000000e+00 : f32
      %broadcast_in_dim3A_57 = vector.broadcast %broadcast_in_dim3A_56 : f32 to vector<16xf32>
      %swap3A_58 = arith.index_cast %scan3A_22 : i32 to index
      %swap3A_59 = arith.constant 80 : index
      %swap3A_60 = tpu.vector_load %arg8[%swap3A_58, %swap3A_59] {strides = array<i32>} : memref<128x128xf32, #tpu.memory_space<vmem>>, vector<1x16xf32>,
      %swap3A_61 = vector.shape_cast %swap3A_60 : vector<1x16xf32> to vector<16xf32>
      %swap3A_62 = vector.shape_cast %broadcast_in_dim3A_57 : vector<16xf32> to vector<1x16xf32>
      tpu.vector_store %arg8[%swap3A_58, %swap3A_59], %swap3A_62 {strides = array<i32>} : memref<128x128xf32, #tpu.memory_space<vmem>>, vector<1x16xf32>,
      %broadcast_in_dim3A_63 = arith.constant 0.000000e+00 : f32
      %broadcast_in_dim3A_64 = vector.broadcast %broadcast_in_dim3A_63 : f32 to vector<16xf32>
      %swap3A_65 = arith.index_cast %scan3A_22 : i32 to index
      %swap3A_66 = arith.constant 96 : index
      %swap3A_67 = tpu.vector_load %arg8[%swap3A_65, %swap3A_66] {strides = array<i32>} : memref<128x128xf32, #tpu.memory_space<vmem>>, vector<1x16xf32>,
      %swap3A_68 = vector.shape_cast %swap3A_67 : vector<1x16xf32> to vector<16xf32>
      %swap3A_69 = vector.shape_cast %broadcast_in_dim3A_64 : vector<16xf32> to vector<1x16xf32>
      tpu.vector_store %arg8[%swap3A_65, %swap3A_66], %swap3A_69 {strides = array<i32>} : memref<128x128xf32, #tpu.memory_space<vmem>>, vector<1x16xf32>,
      %broadcast_in_dim3A_70 = arith.constant 0.000000e+00 : f32
      %broadcast_in_dim3A_71 = vector.broadcast %broadcast_in_dim3A_70 : f32 to vector<16xf32>
      %swap3A_72 = arith.index_cast %scan3A_22 : i32 to index
      %swap3A_73 = arith.constant 112 : index
      %swap3A_74 = tpu.vector_load %arg8[%swap3A_72, %swap3A_73] {strides = array<i32>} : memref<128x128xf32, #tpu.memory_space<vmem>>, vector<1x16xf32>,
      %swap3A_75 = vector.shape_cast %swap3A_74 : vector<1x16xf32> to vector<16xf32>
      %swap3A_76 = vector.shape_cast %broadcast_in_dim3A_71 : vector<16xf32> to vector<1x16xf32>
      tpu.vector_store %arg8[%swap3A_72, %swap3A_73], %swap3A_76 {strides = array<i32>} : memref<128x128xf32, #tpu.memory_space<vmem>>, vector<1x16xf32>,
    }
    %scan3A_5 = arith.constant 128 : i32
    %add3A = arith.constant 0 : i32
    %add3A_6 = arith.addi %mul3A_0, %add3A : i32
    "tpu.region"() ({
      %run_scoped3A = tpu.sem_alloc : memref<!tpu.dma_semaphore, #tpu.memory_space<semaphore_mem>>
      %dma_start3A = arith.constant 0 : i32
      %dma_start3A_22 = tpu.memref_slice %arg9[%add3A_6, %dma_start3A] : memref<10240x128xf32, #tpu.memory_space<vmem_shared>> -> memref<128x128xf32, #tpu.memory_space<vmem_shared>>
      %dma_start3A_23 = arith.constant 0 : i32
      %dma_start3A_24 = tpu.memref_slice %arg9[%add3A_6, %dma_start3A_23] : memref<10240x128xf32, #tpu.memory_space<vmem_shared>> -> memref<128x128xf32, #tpu.memory_space<vmem_shared>>
      tpu.enqueue_dma source(%arg8 : memref<128x128xf32, #tpu.memory_space<vmem>>) target(%dma_start3A_24 : memref<128x128xf32, #tpu.memory_space<vmem_shared>>) target_semaphore(%run_scoped3A : memref<!tpu.dma_semaphore, #tpu.memory_space<semaphore_mem>>)
      %dma_wait3A = arith.constant 0 : i32
      %dma_wait3A_25 = tpu.memref_slice %arg9[%add3A_6, %dma_wait3A] : memref<10240x128xf32, #tpu.memory_space<vmem_shared>> -> memref<128x128xf32, #tpu.memory_space<vmem_shared>>
      %dma_wait3A_26 = arith.constant 0 : i32
      %dma_wait3A_27 = tpu.memref_slice %arg9[%add3A_6, %dma_wait3A_26] : memref<10240x128xf32, #tpu.memory_space<vmem_shared>> -> memref<128x128xf32, #tpu.memory_space<vmem_shared>>
      tpu.wait_dma2 semaphore(%run_scoped3A : memref<!tpu.dma_semaphore, #tpu.memory_space<semaphore_mem>>) src(%arg8 : memref<128x128xf32, #tpu.memory_space<vmem>>) dst(%dma_wait3A_27 : memref<128x128xf32, #tpu.memory_space<vmem_shared>>)
      tpu.yield
    }) : () -> ()
    %add3A_7 = arith.constant 128 : i32
    %add3A_8 = arith.addi %mul3A_0, %add3A_7 : i32
    "tpu.region"() ({
      %run_scoped3A = tpu.sem_alloc : memref<!tpu.dma_semaphore, #tpu.memory_space<semaphore_mem>>
      %dma_start3A = arith.constant 0 : i32
      %dma_start3A_22 = tpu.memref_slice %arg9[%add3A_8, %dma_start3A] : memref<10240x128xf32, #tpu.memory_space<vmem_shared>> -> memref<128x128xf32, #tpu.memory_space<vmem_shared>>
      %dma_start3A_23 = arith.constant 0 : i32
      %dma_start3A_24 = tpu.memref_slice %arg9[%add3A_8, %dma_start3A_23] : memref<10240x128xf32, #tpu.memory_space<vmem_shared>> -> memref<128x128xf32, #tpu.memory_space<vmem_shared>>
      tpu.enqueue_dma source(%arg8 : memref<128x128xf32, #tpu.memory_space<vmem>>) target(%dma_start3A_24 : memref<128x128xf32, #tpu.memory_space<vmem_shared>>) target_semaphore(%run_scoped3A : memref<!tpu.dma_semaphore, #tpu.memory_space<semaphore_mem>>)
      %dma_wait3A = arith.constant 0 : i32
      %dma_wait3A_25 = tpu.memref_slice %arg9[%add3A_8, %dma_wait3A] : memref<10240x128xf32, #tpu.memory_space<vmem_shared>> -> memref<128x128xf32, #tpu.memory_space<vmem_shared>>
      %dma_wait3A_26 = arith.constant 0 : i32
      %dma_wait3A_27 = tpu.memref_slice %arg9[%add3A_8, %dma_wait3A_26] : memref<10240x128xf32, #tpu.memory_space<vmem_shared>> -> memref<128x128xf32, #tpu.memory_space<vmem_shared>>
      tpu.wait_dma2 semaphore(%run_scoped3A : memref<!tpu.dma_semaphore, #tpu.memory_space<semaphore_mem>>) src(%arg8 : memref<128x128xf32, #tpu.memory_space<vmem>>) dst(%dma_wait3A_27 : memref<128x128xf32, #tpu.memory_space<vmem_shared>>)
      tpu.yield
    }) : () -> ()
    %add3A_9 = arith.constant 256 : i32
    %add3A_10 = arith.addi %mul3A_0, %add3A_9 : i32
    "tpu.region"() ({
      %run_scoped3A = tpu.sem_alloc : memref<!tpu.dma_semaphore, #tpu.memory_space<semaphore_mem>>
      %dma_start3A = arith.constant 0 : i32
      %dma_start3A_22 = tpu.memref_slice %arg9[%add3A_10, %dma_start3A] : memref<10240x128xf32, #tpu.memory_space<vmem_shared>> -> memref<128x128xf32, #tpu.memory_space<vmem_shared>>
      %dma_start3A_23 = arith.constant 0 : i32
      %dma_start3A_24 = tpu.memref_slice %arg9[%add3A_10, %dma_start3A_23] : memref<10240x128xf32, #tpu.memory_space<vmem_shared>> -> memref<128x128xf32, #tpu.memory_space<vmem_shared>>
      tpu.enqueue_dma source(%arg8 : memref<128x128xf32, #tpu.memory_space<vmem>>) target(%dma_start3A_24 : memref<128x128xf32, #tpu.memory_space<vmem_shared>>) target_semaphore(%run_scoped3A : memref<!tpu.dma_semaphore, #tpu.memory_space<semaphore_mem>>)
      %dma_wait3A = arith.constant 0 : i32
      %dma_wait3A_25 = tpu.memref_slice %arg9[%add3A_10, %dma_wait3A] : memref<10240x128xf32, #tpu.memory_space<vmem_shared>> -> memref<128x128xf32, #tpu.memory_space<vmem_shared>>
      %dma_wait3A_26 = arith.constant 0 : i32
      %dma_wait3A_27 = tpu.memref_slice %arg9[%add3A_10, %dma_wait3A_26] : memref<10240x128xf32, #tpu.memory_space<vmem_shared>> -> memref<128x128xf32, #tpu.memory_space<vmem_shared>>
      tpu.wait_dma2 semaphore(%run_scoped3A : memref<!tpu.dma_semaphore, #tpu.memory_space<semaphore_mem>>) src(%arg8 : memref<128x128xf32, #tpu.memory_space<vmem>>) dst(%dma_wait3A_27 : memref<128x128xf32, #tpu.memory_space<vmem_shared>>)
      tpu.yield
    }) : () -> ()
    %add3A_11 = arith.constant 384 : i32
    %add3A_12 = arith.addi %mul3A_0, %add3A_11 : i32
    "tpu.region"() ({
      %run_scoped3A = tpu.sem_alloc : memref<!tpu.dma_semaphore, #tpu.memory_space<semaphore_mem>>
      %dma_start3A = arith.constant 0 : i32
      %dma_start3A_22 = tpu.memref_slice %arg9[%add3A_12, %dma_start3A] : memref<10240x128xf32, #tpu.memory_space<vmem_shared>> -> memref<128x128xf32, #tpu.memory_space<vmem_shared>>
      %dma_start3A_23 = arith.constant 0 : i32
      %dma_start3A_24 = tpu.memref_slice %arg9[%add3A_12, %dma_start3A_23] : memref<10240x128xf32, #tpu.memory_space<vmem_shared>> -> memref<128x128xf32, #tpu.memory_space<vmem_shared>>
      tpu.enqueue_dma source(%arg8 : memref<128x128xf32, #tpu.memory_space<vmem>>) target(%dma_start3A_24 : memref<128x128xf32, #tpu.memory_space<vmem_shared>>) target_semaphore(%run_scoped3A : memref<!tpu.dma_semaphore, #tpu.memory_space<semaphore_mem>>)
      %dma_wait3A = arith.constant 0 : i32
      %dma_wait3A_25 = tpu.memref_slice %arg9[%add3A_12, %dma_wait3A] : memref<10240x128xf32, #tpu.memory_space<vmem_shared>> -> memref<128x128xf32, #tpu.memory_space<vmem_shared>>
      %dma_wait3A_26 = arith.constant 0 : i32
      %dma_wait3A_27 = tpu.memref_slice %arg9[%add3A_12, %dma_wait3A_26] : memref<10240x128xf32, #tpu.memory_space<vmem_shared>> -> memref<128x128xf32, #tpu.memory_space<vmem_shared>>
      tpu.wait_dma2 semaphore(%run_scoped3A : memref<!tpu.dma_semaphore, #tpu.memory_space<semaphore_mem>>) src(%arg8 : memref<128x128xf32, #tpu.memory_space<vmem>>) dst(%dma_wait3A_27 : memref<128x128xf32, #tpu.memory_space<vmem_shared>>)
      tpu.yield
    }) : () -> ()
    %add3A_13 = arith.constant 512 : i32
    %add3A_14 = arith.addi %mul3A_0, %add3A_13 : i32
    "tpu.region"() ({
      %run_scoped3A = tpu.sem_alloc : memref<!tpu.dma_semaphore, #tpu.memory_space<semaphore_mem>>
      %dma_start3A = arith.constant 0 : i32
      %dma_start3A_22 = tpu.memref_slice %arg9[%add3A_14, %dma_start3A] : memref<10240x128xf32, #tpu.memory_space<vmem_shared>> -> memref<128x128xf32, #tpu.memory_space<vmem_shared>>
      %dma_start3A_23 = arith.constant 0 : i32
      %dma_start3A_24 = tpu.memref_slice %arg9[%add3A_14, %dma_start3A_23] : memref<10240x128xf32, #tpu.memory_space<vmem_shared>> -> memref<128x128xf32, #tpu.memory_space<vmem_shared>>
      tpu.enqueue_dma source(%arg8 : memref<128x128xf32, #tpu.memory_space<vmem>>) target(%dma_start3A_24 : memref<128x128xf32, #tpu.memory_space<vmem_shared>>) target_semaphore(%run_scoped3A : memref<!tpu.dma_semaphore, #tpu.memory_space<semaphore_mem>>)
      %dma_wait3A = arith.constant 0 : i32
      %dma_wait3A_25 = tpu.memref_slice %arg9[%add3A_14, %dma_wait3A] : memref<10240x128xf32, #tpu.memory_space<vmem_shared>> -> memref<128x128xf32, #tpu.memory_space<vmem_shared>>
      %dma_wait3A_26 = arith.constant 0 : i32
      %dma_wait3A_27 = tpu.memref_slice %arg9[%add3A_14, %dma_wait3A_26] : memref<10240x128xf32, #tpu.memory_space<vmem_shared>> -> memref<128x128xf32, #tpu.memory_space<vmem_shared>>
      tpu.wait_dma2 semaphore(%run_scoped3A : memref<!tpu.dma_semaphore, #tpu.memory_space<semaphore_mem>>) src(%arg8 : memref<128x128xf32, #tpu.memory_space<vmem>>) dst(%dma_wait3A_27 : memref<128x128xf32, #tpu.memory_space<vmem_shared>>)
      tpu.yield
    }) : () -> ()
    "tpu.region"() ({
      %run_scoped3A = tpu.sem_alloc : memref<!tpu.dma_semaphore, #tpu.memory_space<semaphore_mem>>
      %dma_start3A = arith.constant 0 : i32
      %dma_start3A_22 = arith.constant 0 : i32
      %dma_start3A_23 = tpu.memref_slice %arg3[%arg0, %arg1, %dma_start3A, %dma_start3A_22] : memref<2x16x79x128xi32, #tpu.memory_space<hbm>> -> memref<1x1x79x128xi32, #tpu.memory_space<hbm>>
      %dma_start3A_24 = tpu.memref_squeeze %dma_start3A_23 : memref<1x1x79x128xi32, #tpu.memory_space<hbm>> -> memref<79x128xi32, #tpu.memory_space<hbm>>
      %dma_start3A_25 = arith.constant 0 : i32
      %dma_start3A_26 = arith.constant 0 : i32
      %dma_start3A_27 = tpu.memref_slice %arg3[%arg0, %arg1, %dma_start3A_25, %dma_start3A_26] : memref<2x16x79x128xi32, #tpu.memory_space<hbm>> -> memref<1x1x79x128xi32, #tpu.memory_space<hbm>>
      %dma_start3A_28 = tpu.memref_squeeze %dma_start3A_27 : memref<1x1x79x128xi32, #tpu.memory_space<hbm>> -> memref<79x128xi32, #tpu.memory_space<hbm>>
      tpu.enqueue_dma source(%dma_start3A_28 : memref<79x128xi32, #tpu.memory_space<hbm>>) target(%arg6 : memref<79x128xi32, #tpu.memory_space<vmem>>) target_semaphore(%run_scoped3A : memref<!tpu.dma_semaphore, #tpu.memory_space<semaphore_mem>>)
      %dma_wait3A = arith.constant 0 : i32
      %dma_wait3A_29 = arith.constant 0 : i32
      %dma_wait3A_30 = tpu.memref_slice %arg3[%arg0, %arg1, %dma_wait3A, %dma_wait3A_29] : memref<2x16x79x128xi32, #tpu.memory_space<hbm>> -> memref<1x1x79x128xi32, #tpu.memory_space<hbm>>
      %dma_wait3A_31 = tpu.memref_squeeze %dma_wait3A_30 : memref<1x1x79x128xi32, #tpu.memory_space<hbm>> -> memref<79x128xi32, #tpu.memory_space<hbm>>
      %dma_wait3A_32 = arith.constant 0 : i32
      %dma_wait3A_33 = arith.constant 0 : i32
      %dma_wait3A_34 = tpu.memref_slice %arg3[%arg0, %arg1, %dma_wait3A_32, %dma_wait3A_33] : memref<2x16x79x128xi32, #tpu.memory_space<hbm>> -> memref<1x1x79x128xi32, #tpu.memory_space<hbm>>
      %dma_wait3A_35 = tpu.memref_squeeze %dma_wait3A_34 : memref<1x1x79x128xi32, #tpu.memory_space<hbm>> -> memref<79x128xi32, #tpu.memory_space<hbm>>
      tpu.wait_dma2 semaphore(%run_scoped3A : memref<!tpu.dma_semaphore, #tpu.memory_space<semaphore_mem>>) src(%dma_wait3A_35 : memref<79x128xi32, #tpu.memory_space<hbm>>) dst(%arg6 : memref<79x128xi32, #tpu.memory_space<vmem>>)
      tpu.yield
    }) : () -> ()
    "tpu.region"() ({
      %run_scoped3A = tpu.sem_alloc : memref<!tpu.dma_semaphore, #tpu.memory_space<semaphore_mem>>
      %dma_start3A = arith.constant 0 : i32
      %dma_start3A_22 = arith.constant 0 : i32
      %dma_start3A_23 = tpu.memref_slice %arg4[%arg0, %arg1, %dma_start3A, %dma_start3A_22] : memref<2x16x79x128xi32, #tpu.memory_space<hbm>> -> memref<1x1x79x128xi32, #tpu.memory_space<hbm>>
      %dma_start3A_24 = tpu.memref_squeeze %dma_start3A_23 : memref<1x1x79x128xi32, #tpu.memory_space<hbm>> -> memref<79x128xi32, #tpu.memory_space<hbm>>
      %dma_start3A_25 = arith.constant 0 : i32
      %dma_start3A_26 = arith.constant 0 : i32
      %dma_start3A_27 = tpu.memref_slice %arg4[%arg0, %arg1, %dma_start3A_25, %dma_start3A_26] : memref<2x16x79x128xi32, #tpu.memory_space<hbm>> -> memref<1x1x79x128xi32, #tpu.memory_space<hbm>>
      %dma_start3A_28 = tpu.memref_squeeze %dma_start3A_27 : memref<1x1x79x128xi32, #tpu.memory_space<hbm>> -> memref<79x128xi32, #tpu.memory_space<hbm>>
      tpu.enqueue_dma source(%dma_start3A_28 : memref<79x128xi32, #tpu.memory_space<hbm>>) target(%arg7 : memref<79x128xi32, #tpu.memory_space<vmem>>) target_semaphore(%run_scoped3A : memref<!tpu.dma_semaphore, #tpu.memory_space<semaphore_mem>>)
      %dma_wait3A = arith.constant 0 : i32
      %dma_wait3A_29 = arith.constant 0 : i32
      %dma_wait3A_30 = tpu.memref_slice %arg4[%arg0, %arg1, %dma_wait3A, %dma_wait3A_29] : memref<2x16x79x128xi32, #tpu.memory_space<hbm>> -> memref<1x1x79x128xi32, #tpu.memory_space<hbm>>
      %dma_wait3A_31 = tpu.memref_squeeze %dma_wait3A_30 : memref<1x1x79x128xi32, #tpu.memory_space<hbm>> -> memref<79x128xi32, #tpu.memory_space<hbm>>
      %dma_wait3A_32 = arith.constant 0 : i32
      %dma_wait3A_33 = arith.constant 0 : i32
      %dma_wait3A_34 = tpu.memref_slice %arg4[%arg0, %arg1, %dma_wait3A_32, %dma_wait3A_33] : memref<2x16x79x128xi32, #tpu.memory_space<hbm>> -> memref<1x1x79x128xi32, #tpu.memory_space<hbm>>
      %dma_wait3A_35 = tpu.memref_squeeze %dma_wait3A_34 : memref<1x1x79x128xi32, #tpu.memory_space<hbm>> -> memref<79x128xi32, #tpu.memory_space<hbm>>
      tpu.wait_dma2 semaphore(%run_scoped3A : memref<!tpu.dma_semaphore, #tpu.memory_space<semaphore_mem>>) src(%dma_wait3A_35 : memref<79x128xi32, #tpu.memory_space<hbm>>) dst(%arg7 : memref<79x128xi32, #tpu.memory_space<vmem>>)
      tpu.yield
    }) : () -> ()
    %barrier3A = arith.constant 0 : index
    tpu.barrier barrier_id(%barrier3A)
    %scan3A_15 = arith.constant 0 : i32
    %scan3A_16 = arith.constant 0 : i32
    %scan3A_17 = arith.constant 79 : i32
    %scan3A_18 = arith.addi %scan3A_16, %scan3A_17 : i32
    %scan3A_19 = arith.constant 1 : i32
    scf.for %scan3A_22 = %scan3A_16 to %scan3A_18 step %scan3A_19  : i32 {
      %dma_start3A = arith.constant 0 : i32
      %dma_start3A_23 = tpu.memref_slice %arg6[%scan3A_22, %dma_start3A] : memref<79x128xi32, #tpu.memory_space<vmem>> -> memref<1x128xi32, #tpu.memory_space<vmem>>
      %dma_start3A_24 = tpu.memref_squeeze %dma_start3A_23 : memref<1x128xi32, #tpu.memory_space<vmem>> -> memref<128xi32, #tpu.memory_space<vmem>>
      %dma_start3A_25 = arith.constant 0 : i32
      %dma_start3A_26 = arith.constant 0 : i32
      %dma_start3A_27 = tpu.memref_slice %arg2[%dma_start3A_25, %dma_start3A_26] : memref<10000x128xf32, #tpu.memory_space<hbm>> -> memref<10000x128xf32, #tpu.memory_space<hbm>>
      tpu.enqueue_indirect_dma source(%dma_start3A_27 : memref<10000x128xf32, #tpu.memory_space<hbm>>) target(%arg8 : memref<128x128xf32, #tpu.memory_space<vmem>>) offsets(%dma_start3A_24 : memref<128xi32, #tpu.memory_space<vmem>>) semaphore(%arg10 : memref<!tpu.dma_semaphore, #tpu.memory_space<semaphore_mem>>)
      %dma_wait3A = arith.constant 0 : i32
      %dma_wait3A_28 = tpu.memref_slice %arg6[%scan3A_22, %dma_wait3A] : memref<79x128xi32, #tpu.memory_space<vmem>> -> memref<1x128xi32, #tpu.memory_space<vmem>>
      %dma_wait3A_29 = tpu.memref_squeeze %dma_wait3A_28 : memref<1x128xi32, #tpu.memory_space<vmem>> -> memref<128xi32, #tpu.memory_space<vmem>>
      %dma_wait3A_30 = arith.constant 0 : i32
      %dma_wait3A_31 = arith.constant 0 : i32
      %dma_wait3A_32 = tpu.memref_slice %arg2[%dma_wait3A_30, %dma_wait3A_31] : memref<10000x128xf32, #tpu.memory_space<hbm>> -> memref<10000x128xf32, #tpu.memory_space<hbm>>
      tpu.wait_indirect_dma semaphore(%arg10 : memref<!tpu.dma_semaphore, #tpu.memory_space<semaphore_mem>>) src(%dma_wait3A_32 : memref<10000x128xf32, #tpu.memory_space<hbm>>) dst(%arg8 : memref<128x128xf32, #tpu.memory_space<vmem>>)
      "tpu.region"() ({
        %run_scoped3A = tpu.sem_alloc : memref<!tpu.dma_semaphore, #tpu.memory_space<semaphore_mem>>
        %dma_start3A_33 = arith.constant 0 : i32
        %dma_start3A_34 = tpu.memref_slice %arg7[%scan3A_22, %dma_start3A_33] : memref<79x128xi32, #tpu.memory_space<vmem>> -> memref<1x128xi32, #tpu.memory_space<vmem>>
        %dma_start3A_35 = tpu.memref_squeeze %dma_start3A_34 : memref<1x128xi32, #tpu.memory_space<vmem>> -> memref<128xi32, #tpu.memory_space<vmem>>
        %dma_start3A_36 = arith.constant 0 : i32
        %dma_start3A_37 = arith.constant 0 : i32
        %dma_start3A_38 = tpu.memref_slice %arg9[%dma_start3A_36, %dma_start3A_37] : memref<10240x128xf32, #tpu.memory_space<vmem_shared>> -> memref<10240x128xf32, #tpu.memory_space<vmem_shared>>
        tpu.enqueue_indirect_dma source(%arg8 : memref<128x128xf32, #tpu.memory_space<vmem>>) target(%dma_start3A_38 : memref<10240x128xf32, #tpu.memory_space<vmem_shared>>) offsets(%dma_start3A_35 : memref<128xi32, #tpu.memory_space<vmem>>) semaphore(%run_scoped3A : memref<!tpu.dma_semaphore, #tpu.memory_space<semaphore_mem>>) {add = true}
        %dma_wait3A_39 = arith.constant 0 : i32
        %dma_wait3A_40 = tpu.memref_slice %arg7[%scan3A_22, %dma_wait3A_39] : memref<79x128xi32, #tpu.memory_space<vmem>> -> memref<1x128xi32, #tpu.memory_space<vmem>>
        %dma_wait3A_41 = tpu.memref_squeeze %dma_wait3A_40 : memref<1x128xi32, #tpu.memory_space<vmem>> -> memref<128xi32, #tpu.memory_space<vmem>>
        %dma_wait3A_42 = arith.constant 0 : i32
        %dma_wait3A_43 = arith.constant 0 : i32
        %dma_wait3A_44 = tpu.memref_slice %arg9[%dma_wait3A_42, %dma_wait3A_43] : memref<10240x128xf32, #tpu.memory_space<vmem_shared>> -> memref<10240x128xf32, #tpu.memory_space<vmem_shared>>
        tpu.wait_indirect_dma semaphore(%run_scoped3A : memref<!tpu.dma_semaphore, #tpu.memory_space<semaphore_mem>>) src(%arg8 : memref<128x128xf32, #tpu.memory_space<vmem>>) dst(%dma_wait3A_44 : memref<10240x128xf32, #tpu.memory_space<vmem_shared>>)
        tpu.yield
      }) : () -> ()
    }
    %scan3A_20 = arith.constant 79 : i32
    %barrier3A_21 = arith.constant 0 : index
    tpu.barrier barrier_id(%barrier3A_21)
    "tpu.region"() ({
      %run_scoped3A = tpu.sem_alloc : memref<!tpu.dma_semaphore, #tpu.memory_space<semaphore_mem>>
      %dma_start3A = arith.constant 0 : i32
      %dma_start3A_22 = tpu.memref_slice %arg5[%arg0, %mul3A_0, %dma_start3A] : memref<2x10240x128xf32, #tpu.memory_space<hbm>> -> memref<1x640x128xf32, #tpu.memory_space<hbm>>
      %dma_start3A_23 = tpu.memref_squeeze %dma_start3A_22 : memref<1x640x128xf32, #tpu.memory_space<hbm>> -> memref<640x128xf32, #tpu.memory_space<hbm>>
      %dma_start3A_24 = arith.constant 0 : i32
      %dma_start3A_25 = tpu.memref_slice %arg9[%mul3A_0, %dma_start3A_24] : memref<10240x128xf32, #tpu.memory_space<vmem_shared>> -> memref<640x128xf32, #tpu.memory_space<vmem_shared>>
      tpu.enqueue_dma source(%dma_start3A_25 : memref<640x128xf32, #tpu.memory_space<vmem_shared>>) target(%dma_start3A_23 : memref<640x128xf32, #tpu.memory_space<hbm>>) target_semaphore(%run_scoped3A : memref<!tpu.dma_semaphore, #tpu.memory_space<semaphore_mem>>)
      %dma_wait3A = arith.constant 0 : i32
      %dma_wait3A_26 = tpu.memref_slice %arg5[%arg0, %mul3A_0, %dma_wait3A] : memref<2x10240x128xf32, #tpu.memory_space<hbm>> -> memref<1x640x128xf32, #tpu.memory_space<hbm>>
      %dma_wait3A_27 = tpu.memref_squeeze %dma_wait3A_26 : memref<1x640x128xf32, #tpu.memory_space<hbm>> -> memref<640x128xf32, #tpu.memory_space<hbm>>
      %dma_wait3A_28 = arith.constant 0 : i32
      %dma_wait3A_29 = tpu.memref_slice %arg9[%mul3A_0, %dma_wait3A_28] : memref<10240x128xf32, #tpu.memory_space<vmem_shared>> -> memref<640x128xf32, #tpu.memory_space<vmem_shared>>
      tpu.wait_dma2 semaphore(%run_scoped3A : memref<!tpu.dma_semaphore, #tpu.memory_space<semaphore_mem>>) src(%dma_wait3A_29 : memref<640x128xf32, #tpu.memory_space<vmem_shared>>) dst(%dma_wait3A_27 : memref<640x128xf32, #tpu.memory_space<hbm>>)
      tpu.yield
    }) : () -> ()
    return
  }
}

#map = affine_map<(d0, d1) -> (0, 0)>
#map1 = affine_map<(d0, d1) -> (0, 0, 0, 0)>
#map2 = affine_map<(d0, d1) -> (0, 0, 0)>
module attributes {stable_mosaic.version = 14 : i64} {
  func.func @_agg_body(%arg0: i32, %arg1: i32, %arg2: memref<10000x128xf32, #tpu.memory_space<hbm>>, %arg3: memref<2x16x79x128xi32, #tpu.memory_space<hbm>>, %arg4: memref<2x16x79x128xi32, #tpu.memory_space<hbm>>, %arg5: memref<2x10240x128xf32, #tpu.memory_space<hbm>>, %arg6: memref<79x128xi32, #tpu.memory_space<vmem>>, %arg7: memref<79x128xi32, #tpu.memory_space<vmem>>, %arg8: memref<128x128xf32, #tpu.memory_space<vmem>>, %arg9: memref<10240x128xf32, #tpu.memory_space<vmem_shared>>, %arg10: memref<!tpu.dma_semaphore, #tpu.memory_space<semaphore_mem>>) attributes {dimension_semantics = [#tpu.dimension_semantics<core_parallel>, #tpu.dimension_semantics<subcore_parallel>], iteration_bounds = array<i64: 2, 16>, scalar_prefetch = 0 : i64, scratch_operands = 5 : i64, tpu.core_type = #tpu.core_type<sc_vector_subcore>, window_params = [{transform_indices = #map}, {transform_indices = #map1}, {transform_indices = #map1}, {transform_indices = #map2}]} {
    %mul3A = arith.constant 640 : i32
    %mul3A_0 = arith.muli %arg1, %mul3A : i32
    %scan3A = arith.constant 0 : i32
    %scan3A_1 = arith.constant 0 : i32
    %scan3A_2 = arith.constant 128 : i32
    %scan3A_3 = arith.addi %scan3A_1, %scan3A_2 : i32
    %scan3A_4 = arith.constant 1 : i32
    scf.for %scan3A_22 = %scan3A_1 to %scan3A_3 step %scan3A_4  : i32 {
      %broadcast_in_dim3A = arith.constant 0.000000e+00 : f32
      %broadcast_in_dim3A_23 = vector.broadcast %broadcast_in_dim3A : f32 to vector<16xf32>
      %swap3A = arith.index_cast %scan3A_22 : i32 to index
      %swap3A_24 = arith.constant 0 : index
      %swap3A_25 = tpu.vector_load %arg8[%swap3A, %swap3A_24] {strides = array<i32>} : memref<128x128xf32, #tpu.memory_space<vmem>>, vector<1x16xf32>,
      %swap3A_26 = vector.shape_cast %swap3A_25 : vector<1x16xf32> to vector<16xf32>
      %swap3A_27 = vector.shape_cast %broadcast_in_dim3A_23 : vector<16xf32> to vector<1x16xf32>
      tpu.vector_store %arg8[%swap3A, %swap3A_24], %swap3A_27 {strides = array<i32>} : memref<128x128xf32, #tpu.memory_space<vmem>>, vector<1x16xf32>,
      %broadcast_in_dim3A_28 = arith.constant 0.000000e+00 : f32
      %broadcast_in_dim3A_29 = vector.broadcast %broadcast_in_dim3A_28 : f32 to vector<16xf32>
      %swap3A_30 = arith.index_cast %scan3A_22 : i32 to index
      %swap3A_31 = arith.constant 16 : index
      %swap3A_32 = tpu.vector_load %arg8[%swap3A_30, %swap3A_31] {strides = array<i32>} : memref<128x128xf32, #tpu.memory_space<vmem>>, vector<1x16xf32>,
      %swap3A_33 = vector.shape_cast %swap3A_32 : vector<1x16xf32> to vector<16xf32>
      %swap3A_34 = vector.shape_cast %broadcast_in_dim3A_29 : vector<16xf32> to vector<1x16xf32>
      tpu.vector_store %arg8[%swap3A_30, %swap3A_31], %swap3A_34 {strides = array<i32>} : memref<128x128xf32, #tpu.memory_space<vmem>>, vector<1x16xf32>,
      %broadcast_in_dim3A_35 = arith.constant 0.000000e+00 : f32
      %broadcast_in_dim3A_36 = vector.broadcast %broadcast_in_dim3A_35 : f32 to vector<16xf32>
      %swap3A_37 = arith.index_cast %scan3A_22 : i32 to index
      %swap3A_38 = arith.constant 32 : index
      %swap3A_39 = tpu.vector_load %arg8[%swap3A_37, %swap3A_38] {strides = array<i32>} : memref<128x128xf32, #tpu.memory_space<vmem>>, vector<1x16xf32>,
      %swap3A_40 = vector.shape_cast %swap3A_39 : vector<1x16xf32> to vector<16xf32>
      %swap3A_41 = vector.shape_cast %broadcast_in_dim3A_36 : vector<16xf32> to vector<1x16xf32>
      tpu.vector_store %arg8[%swap3A_37, %swap3A_38], %swap3A_41 {strides = array<i32>} : memref<128x128xf32, #tpu.memory_space<vmem>>, vector<1x16xf32>,
      %broadcast_in_dim3A_42 = arith.constant 0.000000e+00 : f32
      %broadcast_in_dim3A_43 = vector.broadcast %broadcast_in_dim3A_42 : f32 to vector<16xf32>
      %swap3A_44 = arith.index_cast %scan3A_22 : i32 to index
      %swap3A_45 = arith.constant 48 : index
      %swap3A_46 = tpu.vector_load %arg8[%swap3A_44, %swap3A_45] {strides = array<i32>} : memref<128x128xf32, #tpu.memory_space<vmem>>, vector<1x16xf32>,
      %swap3A_47 = vector.shape_cast %swap3A_46 : vector<1x16xf32> to vector<16xf32>
      %swap3A_48 = vector.shape_cast %broadcast_in_dim3A_43 : vector<16xf32> to vector<1x16xf32>
      tpu.vector_store %arg8[%swap3A_44, %swap3A_45], %swap3A_48 {strides = array<i32>} : memref<128x128xf32, #tpu.memory_space<vmem>>, vector<1x16xf32>,
      %broadcast_in_dim3A_49 = arith.constant 0.000000e+00 : f32
      %broadcast_in_dim3A_50 = vector.broadcast %broadcast_in_dim3A_49 : f32 to vector<16xf32>
      %swap3A_51 = arith.index_cast %scan3A_22 : i32 to index
      %swap3A_52 = arith.constant 64 : index
      %swap3A_53 = tpu.vector_load %arg8[%swap3A_51, %swap3A_52] {strides = array<i32>} : memref<128x128xf32, #tpu.memory_space<vmem>>, vector<1x16xf32>,
      %swap3A_54 = vector.shape_cast %swap3A_53 : vector<1x16xf32> to vector<16xf32>
      %swap3A_55 = vector.shape_cast %broadcast_in_dim3A_50 : vector<16xf32> to vector<1x16xf32>
      tpu.vector_store %arg8[%swap3A_51, %swap3A_52], %swap3A_55 {strides = array<i32>} : memref<128x128xf32, #tpu.memory_space<vmem>>, vector<1x16xf32>,
      %broadcast_in_dim3A_56 = arith.constant 0.000000e+00 : f32
      %broadcast_in_dim3A_57 = vector.broadcast %broadcast_in_dim3A_56 : f32 to vector<16xf32>
      %swap3A_58 = arith.index_cast %scan3A_22 : i32 to index
      %swap3A_59 = arith.constant 80 : index
      %swap3A_60 = tpu.vector_load %arg8[%swap3A_58, %swap3A_59] {strides = array<i32>} : memref<128x128xf32, #tpu.memory_space<vmem>>, vector<1x16xf32>,
      %swap3A_61 = vector.shape_cast %swap3A_60 : vector<1x16xf32> to vector<16xf32>
      %swap3A_62 = vector.shape_cast %broadcast_in_dim3A_57 : vector<16xf32> to vector<1x16xf32>
      tpu.vector_store %arg8[%swap3A_58, %swap3A_59], %swap3A_62 {strides = array<i32>} : memref<128x128xf32, #tpu.memory_space<vmem>>, vector<1x16xf32>,
      %broadcast_in_dim3A_63 = arith.constant 0.000000e+00 : f32
      %broadcast_in_dim3A_64 = vector.broadcast %broadcast_in_dim3A_63 : f32 to vector<16xf32>
      %swap3A_65 = arith.index_cast %scan3A_22 : i32 to index
      %swap3A_66 = arith.constant 96 : index
      %swap3A_67 = tpu.vector_load %arg8[%swap3A_65, %swap3A_66] {strides = array<i32>} : memref<128x128xf32, #tpu.memory_space<vmem>>, vector<1x16xf32>,
      %swap3A_68 = vector.shape_cast %swap3A_67 : vector<1x16xf32> to vector<16xf32>
      %swap3A_69 = vector.shape_cast %broadcast_in_dim3A_64 : vector<16xf32> to vector<1x16xf32>
      tpu.vector_store %arg8[%swap3A_65, %swap3A_66], %swap3A_69 {strides = array<i32>} : memref<128x128xf32, #tpu.memory_space<vmem>>, vector<1x16xf32>,
      %broadcast_in_dim3A_70 = arith.constant 0.000000e+00 : f32
      %broadcast_in_dim3A_71 = vector.broadcast %broadcast_in_dim3A_70 : f32 to vector<16xf32>
      %swap3A_72 = arith.index_cast %scan3A_22 : i32 to index
      %swap3A_73 = arith.constant 112 : index
      %swap3A_74 = tpu.vector_load %arg8[%swap3A_72, %swap3A_73] {strides = array<i32>} : memref<128x128xf32, #tpu.memory_space<vmem>>, vector<1x16xf32>,
      %swap3A_75 = vector.shape_cast %swap3A_74 : vector<1x16xf32> to vector<16xf32>
      %swap3A_76 = vector.shape_cast %broadcast_in_dim3A_71 : vector<16xf32> to vector<1x16xf32>
      tpu.vector_store %arg8[%swap3A_72, %swap3A_73], %swap3A_76 {strides = array<i32>} : memref<128x128xf32, #tpu.memory_space<vmem>>, vector<1x16xf32>,
    }
    %scan3A_5 = arith.constant 128 : i32
    %add3A = arith.constant 0 : i32
    %add3A_6 = arith.addi %mul3A_0, %add3A : i32
    "tpu.region"() ({
      %run_scoped3A = tpu.sem_alloc : memref<!tpu.dma_semaphore, #tpu.memory_space<semaphore_mem>>
      %dma_start3A = arith.constant 0 : i32
      %dma_start3A_22 = tpu.memref_slice %arg9[%add3A_6, %dma_start3A] : memref<10240x128xf32, #tpu.memory_space<vmem_shared>> -> memref<128x128xf32, #tpu.memory_space<vmem_shared>>
      %dma_start3A_23 = arith.constant 0 : i32
      %dma_start3A_24 = tpu.memref_slice %arg9[%add3A_6, %dma_start3A_23] : memref<10240x128xf32, #tpu.memory_space<vmem_shared>> -> memref<128x128xf32, #tpu.memory_space<vmem_shared>>
      tpu.enqueue_dma source(%arg8 : memref<128x128xf32, #tpu.memory_space<vmem>>) target(%dma_start3A_24 : memref<128x128xf32, #tpu.memory_space<vmem_shared>>) target_semaphore(%run_scoped3A : memref<!tpu.dma_semaphore, #tpu.memory_space<semaphore_mem>>)
      %dma_wait3A = arith.constant 0 : i32
      %dma_wait3A_25 = tpu.memref_slice %arg9[%add3A_6, %dma_wait3A] : memref<10240x128xf32, #tpu.memory_space<vmem_shared>> -> memref<128x128xf32, #tpu.memory_space<vmem_shared>>
      %dma_wait3A_26 = arith.constant 0 : i32
      %dma_wait3A_27 = tpu.memref_slice %arg9[%add3A_6, %dma_wait3A_26] : memref<10240x128xf32, #tpu.memory_space<vmem_shared>> -> memref<128x128xf32, #tpu.memory_space<vmem_shared>>
      tpu.wait_dma2 semaphore(%run_scoped3A : memref<!tpu.dma_semaphore, #tpu.memory_space<semaphore_mem>>) src(%arg8 : memref<128x128xf32, #tpu.memory_space<vmem>>) dst(%dma_wait3A_27 : memref<128x128xf32, #tpu.memory_space<vmem_shared>>)
      tpu.yield
    }) : () -> ()
    %add3A_7 = arith.constant 128 : i32
    %add3A_8 = arith.addi %mul3A_0, %add3A_7 : i32
    "tpu.region"() ({
      %run_scoped3A = tpu.sem_alloc : memref<!tpu.dma_semaphore, #tpu.memory_space<semaphore_mem>>
      %dma_start3A = arith.constant 0 : i32
      %dma_start3A_22 = tpu.memref_slice %arg9[%add3A_8, %dma_start3A] : memref<10240x128xf32, #tpu.memory_space<vmem_shared>> -> memref<128x128xf32, #tpu.memory_space<vmem_shared>>
      %dma_start3A_23 = arith.constant 0 : i32
      %dma_start3A_24 = tpu.memref_slice %arg9[%add3A_8, %dma_start3A_23] : memref<10240x128xf32, #tpu.memory_space<vmem_shared>> -> memref<128x128xf32, #tpu.memory_space<vmem_shared>>
      tpu.enqueue_dma source(%arg8 : memref<128x128xf32, #tpu.memory_space<vmem>>) target(%dma_start3A_24 : memref<128x128xf32, #tpu.memory_space<vmem_shared>>) target_semaphore(%run_scoped3A : memref<!tpu.dma_semaphore, #tpu.memory_space<semaphore_mem>>)
      %dma_wait3A = arith.constant 0 : i32
      %dma_wait3A_25 = tpu.memref_slice %arg9[%add3A_8, %dma_wait3A] : memref<10240x128xf32, #tpu.memory_space<vmem_shared>> -> memref<128x128xf32, #tpu.memory_space<vmem_shared>>
      %dma_wait3A_26 = arith.constant 0 : i32
      %dma_wait3A_27 = tpu.memref_slice %arg9[%add3A_8, %dma_wait3A_26] : memref<10240x128xf32, #tpu.memory_space<vmem_shared>> -> memref<128x128xf32, #tpu.memory_space<vmem_shared>>
      tpu.wait_dma2 semaphore(%run_scoped3A : memref<!tpu.dma_semaphore, #tpu.memory_space<semaphore_mem>>) src(%arg8 : memref<128x128xf32, #tpu.memory_space<vmem>>) dst(%dma_wait3A_27 : memref<128x128xf32, #tpu.memory_space<vmem_shared>>)
      tpu.yield
    }) : () -> ()
    %add3A_9 = arith.constant 256 : i32
    %add3A_10 = arith.addi %mul3A_0, %add3A_9 : i32
    "tpu.region"() ({
      %run_scoped3A = tpu.sem_alloc : memref<!tpu.dma_semaphore, #tpu.memory_space<semaphore_mem>>
      %dma_start3A = arith.constant 0 : i32
      %dma_start3A_22 = tpu.memref_slice %arg9[%add3A_10, %dma_start3A] : memref<10240x128xf32, #tpu.memory_space<vmem_shared>> -> memref<128x128xf32, #tpu.memory_space<vmem_shared>>
      %dma_start3A_23 = arith.constant 0 : i32
      %dma_start3A_24 = tpu.memref_slice %arg9[%add3A_10, %dma_start3A_23] : memref<10240x128xf32, #tpu.memory_space<vmem_shared>> -> memref<128x128xf32, #tpu.memory_space<vmem_shared>>
      tpu.enqueue_dma source(%arg8 : memref<128x128xf32, #tpu.memory_space<vmem>>) target(%dma_start3A_24 : memref<128x128xf32, #tpu.memory_space<vmem_shared>>) target_semaphore(%run_scoped3A : memref<!tpu.dma_semaphore, #tpu.memory_space<semaphore_mem>>)
      %dma_wait3A = arith.constant 0 : i32
      %dma_wait3A_25 = tpu.memref_slice %arg9[%add3A_10, %dma_wait3A] : memref<10240x128xf32, #tpu.memory_space<vmem_shared>> -> memref<128x128xf32, #tpu.memory_space<vmem_shared>>
      %dma_wait3A_26 = arith.constant 0 : i32
      %dma_wait3A_27 = tpu.memref_slice %arg9[%add3A_10, %dma_wait3A_26] : memref<10240x128xf32, #tpu.memory_space<vmem_shared>> -> memref<128x128xf32, #tpu.memory_space<vmem_shared>>
      tpu.wait_dma2 semaphore(%run_scoped3A : memref<!tpu.dma_semaphore, #tpu.memory_space<semaphore_mem>>) src(%arg8 : memref<128x128xf32, #tpu.memory_space<vmem>>) dst(%dma_wait3A_27 : memref<128x128xf32, #tpu.memory_space<vmem_shared>>)
      tpu.yield
    }) : () -> ()
    %add3A_11 = arith.constant 384 : i32
    %add3A_12 = arith.addi %mul3A_0, %add3A_11 : i32
    "tpu.region"() ({
      %run_scoped3A = tpu.sem_alloc : memref<!tpu.dma_semaphore, #tpu.memory_space<semaphore_mem>>
      %dma_start3A = arith.constant 0 : i32
      %dma_start3A_22 = tpu.memref_slice %arg9[%add3A_12, %dma_start3A] : memref<10240x128xf32, #tpu.memory_space<vmem_shared>> -> memref<128x128xf32, #tpu.memory_space<vmem_shared>>
      %dma_start3A_23 = arith.constant 0 : i32
      %dma_start3A_24 = tpu.memref_slice %arg9[%add3A_12, %dma_start3A_23] : memref<10240x128xf32, #tpu.memory_space<vmem_shared>> -> memref<128x128xf32, #tpu.memory_space<vmem_shared>>
      tpu.enqueue_dma source(%arg8 : memref<128x128xf32, #tpu.memory_space<vmem>>) target(%dma_start3A_24 : memref<128x128xf32, #tpu.memory_space<vmem_shared>>) target_semaphore(%run_scoped3A : memref<!tpu.dma_semaphore, #tpu.memory_space<semaphore_mem>>)
      %dma_wait3A = arith.constant 0 : i32
      %dma_wait3A_25 = tpu.memref_slice %arg9[%add3A_12, %dma_wait3A] : memref<10240x128xf32, #tpu.memory_space<vmem_shared>> -> memref<128x128xf32, #tpu.memory_space<vmem_shared>>
      %dma_wait3A_26 = arith.constant 0 : i32
      %dma_wait3A_27 = tpu.memref_slice %arg9[%add3A_12, %dma_wait3A_26] : memref<10240x128xf32, #tpu.memory_space<vmem_shared>> -> memref<128x128xf32, #tpu.memory_space<vmem_shared>>
      tpu.wait_dma2 semaphore(%run_scoped3A : memref<!tpu.dma_semaphore, #tpu.memory_space<semaphore_mem>>) src(%arg8 : memref<128x128xf32, #tpu.memory_space<vmem>>) dst(%dma_wait3A_27 : memref<128x128xf32, #tpu.memory_space<vmem_shared>>)
      tpu.yield
    }) : () -> ()
    %add3A_13 = arith.constant 512 : i32
    %add3A_14 = arith.addi %mul3A_0, %add3A_13 : i32
    "tpu.region"() ({
      %run_scoped3A = tpu.sem_alloc : memref<!tpu.dma_semaphore, #tpu.memory_space<semaphore_mem>>
      %dma_start3A = arith.constant 0 : i32
      %dma_start3A_22 = tpu.memref_slice %arg9[%add3A_14, %dma_start3A] : memref<10240x128xf32, #tpu.memory_space<vmem_shared>> -> memref<128x128xf32, #tpu.memory_space<vmem_shared>>
      %dma_start3A_23 = arith.constant 0 : i32
      %dma_start3A_24 = tpu.memref_slice %arg9[%add3A_14, %dma_start3A_23] : memref<10240x128xf32, #tpu.memory_space<vmem_shared>> -> memref<128x128xf32, #tpu.memory_space<vmem_shared>>
      tpu.enqueue_dma source(%arg8 : memref<128x128xf32, #tpu.memory_space<vmem>>) target(%dma_start3A_24 : memref<128x128xf32, #tpu.memory_space<vmem_shared>>) target_semaphore(%run_scoped3A : memref<!tpu.dma_semaphore, #tpu.memory_space<semaphore_mem>>)
      %dma_wait3A = arith.constant 0 : i32
      %dma_wait3A_25 = tpu.memref_slice %arg9[%add3A_14, %dma_wait3A] : memref<10240x128xf32, #tpu.memory_space<vmem_shared>> -> memref<128x128xf32, #tpu.memory_space<vmem_shared>>
      %dma_wait3A_26 = arith.constant 0 : i32
      %dma_wait3A_27 = tpu.memref_slice %arg9[%add3A_14, %dma_wait3A_26] : memref<10240x128xf32, #tpu.memory_space<vmem_shared>> -> memref<128x128xf32, #tpu.memory_space<vmem_shared>>
      tpu.wait_dma2 semaphore(%run_scoped3A : memref<!tpu.dma_semaphore, #tpu.memory_space<semaphore_mem>>) src(%arg8 : memref<128x128xf32, #tpu.memory_space<vmem>>) dst(%dma_wait3A_27 : memref<128x128xf32, #tpu.memory_space<vmem_shared>>)
      tpu.yield
    }) : () -> ()
    "tpu.region"() ({
      %run_scoped3A = tpu.sem_alloc : memref<!tpu.dma_semaphore, #tpu.memory_space<semaphore_mem>>
      %dma_start3A = arith.constant 0 : i32
      %dma_start3A_22 = arith.constant 0 : i32
      %dma_start3A_23 = tpu.memref_slice %arg3[%arg0, %arg1, %dma_start3A, %dma_start3A_22] : memref<2x16x79x128xi32, #tpu.memory_space<hbm>> -> memref<1x1x79x128xi32, #tpu.memory_space<hbm>>
      %dma_start3A_24 = tpu.memref_squeeze %dma_start3A_23 : memref<1x1x79x128xi32, #tpu.memory_space<hbm>> -> memref<79x128xi32, #tpu.memory_space<hbm>>
      %dma_start3A_25 = arith.constant 0 : i32
      %dma_start3A_26 = arith.constant 0 : i32
      %dma_start3A_27 = tpu.memref_slice %arg3[%arg0, %arg1, %dma_start3A_25, %dma_start3A_26] : memref<2x16x79x128xi32, #tpu.memory_space<hbm>> -> memref<1x1x79x128xi32, #tpu.memory_space<hbm>>
      %dma_start3A_28 = tpu.memref_squeeze %dma_start3A_27 : memref<1x1x79x128xi32, #tpu.memory_space<hbm>> -> memref<79x128xi32, #tpu.memory_space<hbm>>
      tpu.enqueue_dma source(%dma_start3A_28 : memref<79x128xi32, #tpu.memory_space<hbm>>) target(%arg6 : memref<79x128xi32, #tpu.memory_space<vmem>>) target_semaphore(%run_scoped3A : memref<!tpu.dma_semaphore, #tpu.memory_space<semaphore_mem>>)
      %dma_wait3A = arith.constant 0 : i32
      %dma_wait3A_29 = arith.constant 0 : i32
      %dma_wait3A_30 = tpu.memref_slice %arg3[%arg0, %arg1, %dma_wait3A, %dma_wait3A_29] : memref<2x16x79x128xi32, #tpu.memory_space<hbm>> -> memref<1x1x79x128xi32, #tpu.memory_space<hbm>>
      %dma_wait3A_31 = tpu.memref_squeeze %dma_wait3A_30 : memref<1x1x79x128xi32, #tpu.memory_space<hbm>> -> memref<79x128xi32, #tpu.memory_space<hbm>>
      %dma_wait3A_32 = arith.constant 0 : i32
      %dma_wait3A_33 = arith.constant 0 : i32
      %dma_wait3A_34 = tpu.memref_slice %arg3[%arg0, %arg1, %dma_wait3A_32, %dma_wait3A_33] : memref<2x16x79x128xi32, #tpu.memory_space<hbm>> -> memref<1x1x79x128xi32, #tpu.memory_space<hbm>>
      %dma_wait3A_35 = tpu.memref_squeeze %dma_wait3A_34 : memref<1x1x79x128xi32, #tpu.memory_space<hbm>> -> memref<79x128xi32, #tpu.memory_space<hbm>>
      tpu.wait_dma2 semaphore(%run_scoped3A : memref<!tpu.dma_semaphore, #tpu.memory_space<semaphore_mem>>) src(%dma_wait3A_35 : memref<79x128xi32, #tpu.memory_space<hbm>>) dst(%arg6 : memref<79x128xi32, #tpu.memory_space<vmem>>)
      tpu.yield
    }) : () -> ()
    "tpu.region"() ({
      %run_scoped3A = tpu.sem_alloc : memref<!tpu.dma_semaphore, #tpu.memory_space<semaphore_mem>>
      %dma_start3A = arith.constant 0 : i32
      %dma_start3A_22 = arith.constant 0 : i32
      %dma_start3A_23 = tpu.memref_slice %arg4[%arg0, %arg1, %dma_start3A, %dma_start3A_22] : memref<2x16x79x128xi32, #tpu.memory_space<hbm>> -> memref<1x1x79x128xi32, #tpu.memory_space<hbm>>
      %dma_start3A_24 = tpu.memref_squeeze %dma_start3A_23 : memref<1x1x79x128xi32, #tpu.memory_space<hbm>> -> memref<79x128xi32, #tpu.memory_space<hbm>>
      %dma_start3A_25 = arith.constant 0 : i32
      %dma_start3A_26 = arith.constant 0 : i32
      %dma_start3A_27 = tpu.memref_slice %arg4[%arg0, %arg1, %dma_start3A_25, %dma_start3A_26] : memref<2x16x79x128xi32, #tpu.memory_space<hbm>> -> memref<1x1x79x128xi32, #tpu.memory_space<hbm>>
      %dma_start3A_28 = tpu.memref_squeeze %dma_start3A_27 : memref<1x1x79x128xi32, #tpu.memory_space<hbm>> -> memref<79x128xi32, #tpu.memory_space<hbm>>
      tpu.enqueue_dma source(%dma_start3A_28 : memref<79x128xi32, #tpu.memory_space<hbm>>) target(%arg7 : memref<79x128xi32, #tpu.memory_space<vmem>>) target_semaphore(%run_scoped3A : memref<!tpu.dma_semaphore, #tpu.memory_space<semaphore_mem>>)
      %dma_wait3A = arith.constant 0 : i32
      %dma_wait3A_29 = arith.constant 0 : i32
      %dma_wait3A_30 = tpu.memref_slice %arg4[%arg0, %arg1, %dma_wait3A, %dma_wait3A_29] : memref<2x16x79x128xi32, #tpu.memory_space<hbm>> -> memref<1x1x79x128xi32, #tpu.memory_space<hbm>>
      %dma_wait3A_31 = tpu.memref_squeeze %dma_wait3A_30 : memref<1x1x79x128xi32, #tpu.memory_space<hbm>> -> memref<79x128xi32, #tpu.memory_space<hbm>>
      %dma_wait3A_32 = arith.constant 0 : i32
      %dma_wait3A_33 = arith.constant 0 : i32
      %dma_wait3A_34 = tpu.memref_slice %arg4[%arg0, %arg1, %dma_wait3A_32, %dma_wait3A_33] : memref<2x16x79x128xi32, #tpu.memory_space<hbm>> -> memref<1x1x79x128xi32, #tpu.memory_space<hbm>>
      %dma_wait3A_35 = tpu.memref_squeeze %dma_wait3A_34 : memref<1x1x79x128xi32, #tpu.memory_space<hbm>> -> memref<79x128xi32, #tpu.memory_space<hbm>>
      tpu.wait_dma2 semaphore(%run_scoped3A : memref<!tpu.dma_semaphore, #tpu.memory_space<semaphore_mem>>) src(%dma_wait3A_35 : memref<79x128xi32, #tpu.memory_space<hbm>>) dst(%arg7 : memref<79x128xi32, #tpu.memory_space<vmem>>)
      tpu.yield
    }) : () -> ()
    %barrier3A = arith.constant 0 : index
    tpu.barrier barrier_id(%barrier3A)
    %scan3A_15 = arith.constant 0 : i32
    %scan3A_16 = arith.constant 0 : i32
    %scan3A_17 = arith.constant 79 : i32
    %scan3A_18 = arith.addi %scan3A_16, %scan3A_17 : i32
    %scan3A_19 = arith.constant 1 : i32
    scf.for %scan3A_22 = %scan3A_16 to %scan3A_18 step %scan3A_19  : i32 {
      %dma_start3A = arith.constant 0 : i32
      %dma_start3A_23 = tpu.memref_slice %arg6[%scan3A_22, %dma_start3A] : memref<79x128xi32, #tpu.memory_space<vmem>> -> memref<1x128xi32, #tpu.memory_space<vmem>>
      %dma_start3A_24 = tpu.memref_squeeze %dma_start3A_23 : memref<1x128xi32, #tpu.memory_space<vmem>> -> memref<128xi32, #tpu.memory_space<vmem>>
      %dma_start3A_25 = arith.constant 0 : i32
      %dma_start3A_26 = arith.constant 0 : i32
      %dma_start3A_27 = tpu.memref_slice %arg2[%dma_start3A_25, %dma_start3A_26] : memref<10000x128xf32, #tpu.memory_space<hbm>> -> memref<10000x128xf32, #tpu.memory_space<hbm>>
      tpu.enqueue_indirect_dma source(%dma_start3A_27 : memref<10000x128xf32, #tpu.memory_space<hbm>>) target(%arg8 : memref<128x128xf32, #tpu.memory_space<vmem>>) offsets(%dma_start3A_24 : memref<128xi32, #tpu.memory_space<vmem>>) semaphore(%arg10 : memref<!tpu.dma_semaphore, #tpu.memory_space<semaphore_mem>>)
      %dma_wait3A = arith.constant 0 : i32
      %dma_wait3A_28 = tpu.memref_slice %arg6[%scan3A_22, %dma_wait3A] : memref<79x128xi32, #tpu.memory_space<vmem>> -> memref<1x128xi32, #tpu.memory_space<vmem>>
      %dma_wait3A_29 = tpu.memref_squeeze %dma_wait3A_28 : memref<1x128xi32, #tpu.memory_space<vmem>> -> memref<128xi32, #tpu.memory_space<vmem>>
      %dma_wait3A_30 = arith.constant 0 : i32
      %dma_wait3A_31 = arith.constant 0 : i32
      %dma_wait3A_32 = tpu.memref_slice %arg2[%dma_wait3A_30, %dma_wait3A_31] : memref<10000x128xf32, #tpu.memory_space<hbm>> -> memref<10000x128xf32, #tpu.memory_space<hbm>>
      tpu.wait_indirect_dma semaphore(%arg10 : memref<!tpu.dma_semaphore, #tpu.memory_space<semaphore_mem>>) src(%dma_wait3A_32 : memref<10000x128xf32, #tpu.memory_space<hbm>>) dst(%arg8 : memref<128x128xf32, #tpu.memory_space<vmem>>)
      "tpu.region"() ({
        %run_scoped3A = tpu.sem_alloc : memref<!tpu.dma_semaphore, #tpu.memory_space<semaphore_mem>>
        %dma_start3A_33 = arith.constant 0 : i32
        %dma_start3A_34 = tpu.memref_slice %arg7[%scan3A_22, %dma_start3A_33] : memref<79x128xi32, #tpu.memory_space<vmem>> -> memref<1x128xi32, #tpu.memory_space<vmem>>
        %dma_start3A_35 = tpu.memref_squeeze %dma_start3A_34 : memref<1x128xi32, #tpu.memory_space<vmem>> -> memref<128xi32, #tpu.memory_space<vmem>>
        %dma_start3A_36 = arith.constant 0 : i32
        %dma_start3A_37 = arith.constant 0 : i32
        %dma_start3A_38 = tpu.memref_slice %arg9[%dma_start3A_36, %dma_start3A_37] : memref<10240x128xf32, #tpu.memory_space<vmem_shared>> -> memref<10240x128xf32, #tpu.memory_space<vmem_shared>>
        tpu.enqueue_indirect_dma source(%arg8 : memref<128x128xf32, #tpu.memory_space<vmem>>) target(%dma_start3A_38 : memref<10240x128xf32, #tpu.memory_space<vmem_shared>>) offsets(%dma_start3A_35 : memref<128xi32, #tpu.memory_space<vmem>>) semaphore(%run_scoped3A : memref<!tpu.dma_semaphore, #tpu.memory_space<semaphore_mem>>) {add = true}
        %dma_wait3A_39 = arith.constant 0 : i32
        %dma_wait3A_40 = tpu.memref_slice %arg7[%scan3A_22, %dma_wait3A_39] : memref<79x128xi32, #tpu.memory_space<vmem>> -> memref<1x128xi32, #tpu.memory_space<vmem>>
        %dma_wait3A_41 = tpu.memref_squeeze %dma_wait3A_40 : memref<1x128xi32, #tpu.memory_space<vmem>> -> memref<128xi32, #tpu.memory_space<vmem>>
        %dma_wait3A_42 = arith.constant 0 : i32
        %dma_wait3A_43 = arith.constant 0 : i32
        %dma_wait3A_44 = tpu.memref_slice %arg9[%dma_wait3A_42, %dma_wait3A_43] : memref<10240x128xf32, #tpu.memory_space<vmem_shared>> -> memref<10240x128xf32, #tpu.memory_space<vmem_shared>>
        tpu.wait_indirect_dma semaphore(%run_scoped3A : memref<!tpu.dma_semaphore, #tpu.memory_space<semaphore_mem>>) src(%arg8 : memref<128x128xf32, #tpu.memory_space<vmem>>) dst(%dma_wait3A_44 : memref<10240x128xf32, #tpu.memory_space<vmem_shared>>)
        tpu.yield
      }) : () -> ()
    }
    %scan3A_20 = arith.constant 79 : i32
    %barrier3A_21 = arith.constant 0 : index
    tpu.barrier barrier_id(%barrier3A_21)
    "tpu.region"() ({
      %run_scoped3A = tpu.sem_alloc : memref<!tpu.dma_semaphore, #tpu.memory_space<semaphore_mem>>
      %dma_start3A = arith.constant 0 : i32
      %dma_start3A_22 = tpu.memref_slice %arg5[%arg0, %mul3A_0, %dma_start3A] : memref<2x10240x128xf32, #tpu.memory_space<hbm>> -> memref<1x640x128xf32, #tpu.memory_space<hbm>>
      %dma_start3A_23 = tpu.memref_squeeze %dma_start3A_22 : memref<1x640x128xf32, #tpu.memory_space<hbm>> -> memref<640x128xf32, #tpu.memory_space<hbm>>
      %dma_start3A_24 = arith.constant 0 : i32
      %dma_start3A_25 = tpu.memref_slice %arg9[%mul3A_0, %dma_start3A_24] : memref<10240x128xf32, #tpu.memory_space<vmem_shared>> -> memref<640x128xf32, #tpu.memory_space<vmem_shared>>
      tpu.enqueue_dma source(%dma_start3A_25 : memref<640x128xf32, #tpu.memory_space<vmem_shared>>) target(%dma_start3A_23 : memref<640x128xf32, #tpu.memory_space<hbm>>) target_semaphore(%run_scoped3A : memref<!tpu.dma_semaphore, #tpu.memory_space<semaphore_mem>>)
      %dma_wait3A = arith.constant 0 : i32
      %dma_wait3A_26 = tpu.memref_slice %arg5[%arg0, %mul3A_0, %dma_wait3A] : memref<2x10240x128xf32, #tpu.memory_space<hbm>> -> memref<1x640x128xf32, #tpu.memory_space<hbm>>
      %dma_wait3A_27 = tpu.memref_squeeze %dma_wait3A_26 : memref<1x640x128xf32, #tpu.memory_space<hbm>> -> memref<640x128xf32, #tpu.memory_space<hbm>>
      %dma_wait3A_28 = arith.constant 0 : i32
      %dma_wait3A_29 = tpu.memref_slice %arg9[%mul3A_0, %dma_wait3A_28] : memref<10240x128xf32, #tpu.memory_space<vmem_shared>> -> memref<640x128xf32, #tpu.memory_space<vmem_shared>>
      tpu.wait_dma2 semaphore(%run_scoped3A : memref<!tpu.dma_semaphore, #tpu.memory_space<semaphore_mem>>) src(%dma_wait3A_29 : memref<640x128xf32, #tpu.memory_space<vmem_shared>>) dst(%dma_wait3A_27 : memref<640x128xf32, #tpu.memory_space<hbm>>)
      tpu.yield
    }) : () -> ()
    return
  }
}

module attributes {stable_mosaic.version = 14 : i64} {
  func.func @_tc_mid(%arg0: i32, %arg1: memref<2x2000x128xf32, #tpu.memory_space<vmem>>, %arg2: memref<2000x128xf32, #tpu.memory_space<vmem>>, %arg3: memref<2000x1xf32, #tpu.memory_space<vmem>>, %arg4: memref<1x128xf32, #tpu.memory_space<vmem>>, %arg5: memref<128x128xf32, #tpu.memory_space<vmem>>, %arg6: memref<2000x128xf32, #tpu.memory_space<vmem>>) attributes {dimension_semantics = [#tpu.dimension_semantics<arbitrary>], iteration_bounds = array<i64: 5>, scalar_prefetch = 0 : i64, scratch_operands = 0 : i64, tpu.core_type = #tpu.core_type<tc>, window_params = [{transform_indices = @transform_0, window_bounds = array<i64: 2, 2000, 128>}, {transform_indices = @transform_1, window_bounds = array<i64: 2000, 128>}, {transform_indices = @transform_2, window_bounds = array<i64: 2000, 1>}, {pipeline_mode = #tpu.pipeline_mode<synchronous>, transform_indices = @transform_3, window_bounds = array<i64: 1, 128>}, {pipeline_mode = #tpu.pipeline_mode<synchronous>, transform_indices = @transform_4, window_bounds = array<i64: 128, 128>}, {transform_indices = @transform_5, window_bounds = array<i64: 2000, 128>}]} {
    %get3A = arith.constant 0 : index
    %get3A_0 = arith.constant 0 : index
    %get3A_1 = vector.load %arg3[%get3A, %get3A_0] : memref<2000x1xf32, #tpu.memory_space<vmem>>, vector<2000x1xf32>
    %get3A_2 = arith.constant 0 : index
    %get3A_3 = arith.constant 0 : index
    %get3A_4 = arith.constant 0 : index
    %get3A_5 = vector.load %arg1[%get3A_2, %get3A_3, %get3A_4] : memref<2x2000x128xf32, #tpu.memory_space<vmem>>, vector<1x2000x128xf32>
    %get3A_6 = vector.shape_cast %get3A_5 : vector<1x2000x128xf32> to vector<2000x128xf32>
    %get3A_7 = arith.constant 1 : index
    %get3A_8 = arith.constant 0 : index
    %get3A_9 = arith.constant 0 : index
    %get3A_10 = vector.load %arg1[%get3A_7, %get3A_8, %get3A_9] : memref<2x2000x128xf32, #tpu.memory_space<vmem>>, vector<1x2000x128xf32>
    %get3A_11 = vector.shape_cast %get3A_10 : vector<1x2000x128xf32> to vector<2000x128xf32>
    %add3A = arith.addf %get3A_6, %get3A_11 : vector<2000x128xf32>
    %get3A_12 = arith.constant 0 : index
    %get3A_13 = arith.constant 0 : index
    %get3A_14 = vector.load %arg2[%get3A_12, %get3A_13] : memref<2000x128xf32, #tpu.memory_space<vmem>>, vector<2000x128xf32>
    %add3A_15 = arith.addf %add3A, %get3A_14 : vector<2000x128xf32>
    %mul3A = vector.broadcast %get3A_1 : vector<2000x1xf32> to vector<2000x128xf32>
    %mul3A_16 = arith.mulf %mul3A, %add3A_15 : vector<2000x128xf32>
    %get3A_17 = arith.constant 0 : index
    %get3A_18 = arith.constant 0 : index
    %get3A_19 = vector.load %arg4[%get3A_17, %get3A_18] : memref<1x128xf32, #tpu.memory_space<vmem>>, vector<1x128xf32>
    %add3A_20 = vector.broadcast %get3A_19 : vector<1x128xf32> to vector<2000x128xf32>
    %add3A_21 = arith.addf %mul3A_16, %add3A_20 : vector<2000x128xf32>
    %gt3A = arith.constant 0.000000e+00 : f32
    %gt3A_22 = vector.broadcast %gt3A : f32 to vector<2000x128xf32>
    %gt3A_23 = arith.cmpf ogt, %add3A_21, %gt3A_22 : vector<2000x128xf32>
    %exp3A = math.exp %add3A_21 : vector<2000x128xf32>
    %sub3A = arith.constant 1.000000e+00 : f32
    %sub3A_24 = vector.broadcast %sub3A : f32 to vector<2000x128xf32>
    %sub3A_25 = arith.subf %exp3A, %sub3A_24 : vector<2000x128xf32>
    %select_n3A = arith.select %gt3A_23, %add3A_21, %sub3A_25 : vector<2000x128xi1>, vector<2000x128xf32>
    %get3A_26 = arith.constant 0 : index
    %get3A_27 = arith.constant 0 : index
    %get3A_28 = vector.load %arg5[%get3A_26, %get3A_27] : memref<128x128xf32, #tpu.memory_space<vmem>>, vector<128x128xf32>
    %dot_general3A = arith.constant dense<0.000000e+00> : vector<2000x128xf32>
    %dot_general3A_29 = tpu.matmul %select_n3A, %get3A_28, %dot_general3A {dimension_numbers = #tpu.dot_dimension_numbers<[1], [0], [0], [1], [0, 0, 1, 1], [], []>, transpose_lhs_hint = false} : vector<2000x128xf32>, vector<128x128xf32>, vector<2000x128xf32> -> vector<2000x128xf32>
    %get3A_30 = arith.constant 0 : index
    %get3A_31 = arith.constant 0 : index
    %get3A_32 = vector.load %arg3[%get3A_30, %get3A_31] : memref<2000x1xf32, #tpu.memory_space<vmem>>, vector<2000x1xf32>
    %mul3A_33 = vector.broadcast %get3A_32 : vector<2000x1xf32> to vector<2000x128xf32>
    %mul3A_34 = arith.mulf %dot_general3A_29, %mul3A_33 : vector<2000x128xf32>
    %swap3A = arith.constant 0 : index
    %swap3A_35 = arith.constant 0 : index
    %swap3A_36 = vector.load %arg6[%swap3A, %swap3A_35] : memref<2000x128xf32, #tpu.memory_space<vmem>>, vector<2000x128xf32>
    tpu.vector_store %arg6[%swap3A, %swap3A_35], %mul3A_34 {strides = array<i32>} : memref<2000x128xf32, #tpu.memory_space<vmem>>, vector<2000x128xf32>,
    return
  }
  func.func @transform_0(%arg0: i32) -> (i32, i32, i32) {
    %c0_i32 = arith.constant 0 : i32
    %c0_i32_0 = arith.constant 0 : i32
    %c0_i32_1 = arith.constant 0 : i32
    return %c0_i32, %arg0, %c0_i32_0 : i32, i32, i32
  }
  func.func @transform_1(%arg0: i32) -> (i32, i32) {
    %c0_i32 = arith.constant 0 : i32
    %c0_i32_0 = arith.constant 0 : i32
    return %arg0, %c0_i32 : i32, i32
  }
  func.func @transform_2(%arg0: i32) -> (i32, i32) {
    %c0_i32 = arith.constant 0 : i32
    %c0_i32_0 = arith.constant 0 : i32
    return %arg0, %c0_i32 : i32, i32
  }
  func.func @transform_3(%arg0: i32) -> (i32, i32) {
    %c0_i32 = arith.constant 0 : i32
    %c0_i32_0 = arith.constant 0 : i32
    %c0_i32_1 = arith.constant 0 : i32
    return %c0_i32, %c0_i32_0 : i32, i32
  }
  func.func @transform_4(%arg0: i32) -> (i32, i32) {
    %c0_i32 = arith.constant 0 : i32
    %c0_i32_0 = arith.constant 0 : i32
    %c0_i32_1 = arith.constant 0 : i32
    return %c0_i32, %c0_i32_0 : i32, i32
  }
  func.func @transform_5(%arg0: i32) -> (i32, i32) {
    %c0_i32 = arith.constant 0 : i32
    %c0_i32_0 = arith.constant 0 : i32
    return %arg0, %c0_i32 : i32, i32
  }
}

module attributes {stable_mosaic.version = 14 : i64} {
  func.func @_tc_pre(%arg0: i32, %arg1: memref<2000x128xf32, #tpu.memory_space<vmem>>, %arg2: memref<128x128xf32, #tpu.memory_space<vmem>>, %arg3: memref<2x2000x32xf32, #tpu.memory_space<vmem>>, %arg4: memref<2000x128xf32, #tpu.memory_space<vmem>>, %arg5: memref<2000x1xf32, #tpu.memory_space<vmem>>) attributes {dimension_semantics = [#tpu.dimension_semantics<arbitrary>], iteration_bounds = array<i64: 5>, scalar_prefetch = 0 : i64, scratch_operands = 0 : i64, tpu.core_type = #tpu.core_type<tc>, window_params = [{transform_indices = @transform_0, window_bounds = array<i64: 2000, 128>}, {pipeline_mode = #tpu.pipeline_mode<synchronous>, transform_indices = @transform_1, window_bounds = array<i64: 128, 128>}, {transform_indices = @transform_2, window_bounds = array<i64: 2, 2000, 32>}, {transform_indices = @transform_3, window_bounds = array<i64: 2000, 128>}, {transform_indices = @transform_4, window_bounds = array<i64: 2000, 1>}]} {
    %get3A = arith.constant 0 : index
    %get3A_0 = arith.constant 0 : index
    %get3A_1 = arith.constant 0 : index
    %get3A_2 = vector.load %arg3[%get3A, %get3A_0, %get3A_1] : memref<2x2000x32xf32, #tpu.memory_space<vmem>>, vector<1x2000x1xf32>
    %get3A_3 = vector.shape_cast %get3A_2 : vector<1x2000x1xf32> to vector<2000xf32>
    %get3A_4 = arith.constant 1 : index
    %get3A_5 = arith.constant 0 : index
    %get3A_6 = arith.constant 0 : index
    %get3A_7 = vector.load %arg3[%get3A_4, %get3A_5, %get3A_6] : memref<2x2000x32xf32, #tpu.memory_space<vmem>>, vector<1x2000x1xf32>
    %get3A_8 = vector.shape_cast %get3A_7 : vector<1x2000x1xf32> to vector<2000xf32>
    %add3A = arith.addf %get3A_3, %get3A_8 : vector<2000xf32>
    %add3A_9 = arith.constant 1.000000e+00 : f32
    %add3A_10 = vector.broadcast %add3A_9 : f32 to vector<2000xf32>
    %add3A_11 = arith.addf %add3A, %add3A_10 : vector<2000xf32>
    %rsqrt3A = math.rsqrt %add3A_11 : vector<2000xf32>
    %get3A_12 = arith.constant 0 : index
    %get3A_13 = arith.constant 0 : index
    %get3A_14 = vector.load %arg1[%get3A_12, %get3A_13] : memref<2000x128xf32, #tpu.memory_space<vmem>>, vector<2000x128xf32>
    %get3A_15 = arith.constant 0 : index
    %get3A_16 = arith.constant 0 : index
    %get3A_17 = vector.load %arg2[%get3A_15, %get3A_16] : memref<128x128xf32, #tpu.memory_space<vmem>>, vector<128x128xf32>
    %dot_general3A = arith.constant dense<0.000000e+00> : vector<2000x128xf32>
    %dot_general3A_18 = tpu.matmul %get3A_14, %get3A_17, %dot_general3A {dimension_numbers = #tpu.dot_dimension_numbers<[1], [0], [0], [1], [0, 0, 1, 1], [], []>, transpose_lhs_hint = false} : vector<2000x128xf32>, vector<128x128xf32>, vector<2000x128xf32> -> vector<2000x128xf32>
    %broadcast_in_dim3A = vector.shape_cast %rsqrt3A : vector<2000xf32> to vector<2000x1xf32>
    %mul3A = vector.broadcast %broadcast_in_dim3A : vector<2000x1xf32> to vector<2000x128xf32>
    %mul3A_19 = arith.mulf %dot_general3A_18, %mul3A : vector<2000x128xf32>
    %swap3A = arith.constant 0 : index
    %swap3A_20 = arith.constant 0 : index
    %swap3A_21 = vector.load %arg4[%swap3A, %swap3A_20] : memref<2000x128xf32, #tpu.memory_space<vmem>>, vector<2000x128xf32>
    tpu.vector_store %arg4[%swap3A, %swap3A_20], %mul3A_19 {strides = array<i32>} : memref<2000x128xf32, #tpu.memory_space<vmem>>, vector<2000x128xf32>,
    %broadcast_in_dim3A_22 = vector.shape_cast %rsqrt3A : vector<2000xf32> to vector<2000x1xf32>
    %swap3A_23 = arith.constant 0 : index
    %swap3A_24 = arith.constant 0 : index
    %swap3A_25 = vector.load %arg5[%swap3A_23, %swap3A_24] : memref<2000x1xf32, #tpu.memory_space<vmem>>, vector<2000x1xf32>
    tpu.vector_store %arg5[%swap3A_23, %swap3A_24], %broadcast_in_dim3A_22 {strides = array<i32>} : memref<2000x1xf32, #tpu.memory_space<vmem>>, vector<2000x1xf32>,
    return
  }
  func.func @transform_0(%arg0: i32) -> (i32, i32) {
    %c0_i32 = arith.constant 0 : i32
    %c0_i32_0 = arith.constant 0 : i32
    return %arg0, %c0_i32 : i32, i32
  }
  func.func @transform_1(%arg0: i32) -> (i32, i32) {
    %c0_i32 = arith.constant 0 : i32
    %c0_i32_0 = arith.constant 0 : i32
    %c0_i32_1 = arith.constant 0 : i32
    return %c0_i32, %c0_i32_0 : i32, i32
  }
  func.func @transform_2(%arg0: i32) -> (i32, i32, i32) {
    %c0_i32 = arith.constant 0 : i32
    %c0_i32_0 = arith.constant 0 : i32
    %c0_i32_1 = arith.constant 0 : i32
    return %c0_i32, %arg0, %c0_i32_0 : i32, i32, i32
  }
  func.func @transform_3(%arg0: i32) -> (i32, i32) {
    %c0_i32 = arith.constant 0 : i32
    %c0_i32_0 = arith.constant 0 : i32
    return %arg0, %c0_i32 : i32, i32
  }
  func.func @transform_4(%arg0: i32) -> (i32, i32) {
    %c0_i32 = arith.constant 0 : i32
    %c0_i32_0 = arith.constant 0 : i32
    return %arg0, %c0_i32 : i32, i32
  }
}

module attributes {stable_mosaic.version = 14 : i64} {
  func.func @_tc_post(%arg0: i32, %arg1: memref<2x2000x128xf32, #tpu.memory_space<vmem>>, %arg2: memref<2000x128xf32, #tpu.memory_space<vmem>>, %arg3: memref<2000x1xf32, #tpu.memory_space<vmem>>, %arg4: memref<1x128xf32, #tpu.memory_space<vmem>>, %arg5: memref<2000x128xf32, #tpu.memory_space<vmem>>) attributes {dimension_semantics = [#tpu.dimension_semantics<arbitrary>], iteration_bounds = array<i64: 5>, scalar_prefetch = 0 : i64, scratch_operands = 0 : i64, tpu.core_type = #tpu.core_type<tc>, window_params = [{transform_indices = @transform_0, window_bounds = array<i64: 2, 2000, 128>}, {transform_indices = @transform_1, window_bounds = array<i64: 2000, 128>}, {transform_indices = @transform_2, window_bounds = array<i64: 2000, 1>}, {pipeline_mode = #tpu.pipeline_mode<synchronous>, transform_indices = @transform_3, window_bounds = array<i64: 1, 128>}, {transform_indices = @transform_4, window_bounds = array<i64: 2000, 128>}]} {
    %get3A = arith.constant 0 : index
    %get3A_0 = arith.constant 0 : index
    %get3A_1 = vector.load %arg3[%get3A, %get3A_0] : memref<2000x1xf32, #tpu.memory_space<vmem>>, vector<2000x1xf32>
    %get3A_2 = arith.constant 0 : index
    %get3A_3 = arith.constant 0 : index
    %get3A_4 = arith.constant 0 : index
    %get3A_5 = vector.load %arg1[%get3A_2, %get3A_3, %get3A_4] : memref<2x2000x128xf32, #tpu.memory_space<vmem>>, vector<1x2000x128xf32>
    %get3A_6 = vector.shape_cast %get3A_5 : vector<1x2000x128xf32> to vector<2000x128xf32>
    %get3A_7 = arith.constant 1 : index
    %get3A_8 = arith.constant 0 : index
    %get3A_9 = arith.constant 0 : index
    %get3A_10 = vector.load %arg1[%get3A_7, %get3A_8, %get3A_9] : memref<2x2000x128xf32, #tpu.memory_space<vmem>>, vector<1x2000x128xf32>
    %get3A_11 = vector.shape_cast %get3A_10 : vector<1x2000x128xf32> to vector<2000x128xf32>
    %add3A = arith.addf %get3A_6, %get3A_11 : vector<2000x128xf32>
    %get3A_12 = arith.constant 0 : index
    %get3A_13 = arith.constant 0 : index
    %get3A_14 = vector.load %arg2[%get3A_12, %get3A_13] : memref<2000x128xf32, #tpu.memory_space<vmem>>, vector<2000x128xf32>
    %add3A_15 = arith.addf %add3A, %get3A_14 : vector<2000x128xf32>
    %mul3A = vector.broadcast %get3A_1 : vector<2000x1xf32> to vector<2000x128xf32>
    %mul3A_16 = arith.mulf %mul3A, %add3A_15 : vector<2000x128xf32>
    %get3A_17 = arith.constant 0 : index
    %get3A_18 = arith.constant 0 : index
    %get3A_19 = vector.load %arg4[%get3A_17, %get3A_18] : memref<1x128xf32, #tpu.memory_space<vmem>>, vector<1x128xf32>
    %add3A_20 = vector.broadcast %get3A_19 : vector<1x128xf32> to vector<2000x128xf32>
    %add3A_21 = arith.addf %mul3A_16, %add3A_20 : vector<2000x128xf32>
    %swap3A = arith.constant 0 : index
    %swap3A_22 = arith.constant 0 : index
    %swap3A_23 = vector.load %arg5[%swap3A, %swap3A_22] : memref<2000x128xf32, #tpu.memory_space<vmem>>, vector<2000x128xf32>
    tpu.vector_store %arg5[%swap3A, %swap3A_22], %add3A_21 {strides = array<i32>} : memref<2000x128xf32, #tpu.memory_space<vmem>>, vector<2000x128xf32>,
    return
  }
  func.func @transform_0(%arg0: i32) -> (i32, i32, i32) {
    %c0_i32 = arith.constant 0 : i32
    %c0_i32_0 = arith.constant 0 : i32
    %c0_i32_1 = arith.constant 0 : i32
    return %c0_i32, %arg0, %c0_i32_0 : i32, i32, i32
  }
  func.func @transform_1(%arg0: i32) -> (i32, i32) {
    %c0_i32 = arith.constant 0 : i32
    %c0_i32_0 = arith.constant 0 : i32
    return %arg0, %c0_i32 : i32, i32
  }
  func.func @transform_2(%arg0: i32) -> (i32, i32) {
    %c0_i32 = arith.constant 0 : i32
    %c0_i32_0 = arith.constant 0 : i32
    return %arg0, %c0_i32 : i32, i32
  }
  func.func @transform_3(%arg0: i32) -> (i32, i32) {
    %c0_i32 = arith.constant 0 : i32
    %c0_i32_0 = arith.constant 0 : i32
    %c0_i32_1 = arith.constant 0 : i32
    return %c0_i32, %c0_i32_0 : i32, i32
  }
  func.func @transform_4(%arg0: i32) -> (i32, i32) {
    %c0_i32 = arith.constant 0 : i32
    %c0_i32_0 = arith.constant 0 : i32
    return %arg0, %c0_i32 : i32, i32
  }
}

</mosaic_0001>

<sc_bundles>
// kernel: kernel.10.cloned.1.call-start
scs
__scs_entry_jumppad:
0x0: {  	(pc) =	sbr.rel $0x88, $3  }
0x1: {  	(tag) =	ssettag $0x0;
	lr =	simm.s32 $0x1  }
0x2: {  	[smem:$0x3F99] =	sst lr;
	_ =	strace $0xD0000000  }
0x3: {  	_ = 	snop  }
0x4: {  	_ = 	snop  }
0x5: {  	_ = 	snop  }
0x6: {  	_ = 	snop  }
0x7: {  	_ = 	snop  }
__scs_overlays_trampoline_lowered:
0x8: {  	[smem:$0x3FA8] =	sst s0  }
0x9: {  	[smem:$0x3FA9] =	sst s1  }
0xa: {  	[smem:$0x3FAA] =	sst s2  }
0xb: {  	[smem:$0x3FAB] =	sst s3  }
0xc: {  	[smem:$0x3FAC] =	sst s4  }
0xd: {  	[smem:$0x3FAD] =	sst s5  }
0xe: {  	[smem:$0x3FAE] =	sst s6  }
0xf: {  	[smem:$0x3FAF] =	sst s7  }
0x10: {  	[smem:$0x3FB0] =	sst s8  }
0x11: {  	[smem:$0x3FB1] =	sst s9;
	s0 =	simm.s32 @!p0 $0x0  }
0x12: {  	s1 =	sld [smem:$0x3F97];
	s0 =	simm.s32 @p0 $0x1  }
0x13: {  	[smem:$0x3FB2] =	sst s0;
	s0 =	simm.s32 @!p1 $0x0  }
0x14: {  	s2 =	sld [smem:$0x3F96];
	s0 =	simm.s32 @p1 $0x1  }
0x15: {  	[smem:$0x3FB3] =	sst s0;
	s0 =	simm.s32 @!p2 $0x0  }
0x16: {  	s3 =	sld [smem:$0x3FDB];
	s0 =	simm.s32 @p2 $0x1  }
0x17: {  	s4 =	simm.s32 $0x1BF5;
	[smem:$0x3FB5] =	sst s0  }
0x18: {  	s0 =	sld [smem:$0x3F98];
	_ =	swait.ge [sflag:s4], $0x0  }
0x19: {  	s7 =	sld [smem:$0x3F99]  }
0x1a: {  	s8 =	sadd.s32 $0xFFFFE003, lr  }
0x1b: {  	s9 =	sadd.s32 $0xFFFFFEF7, lr;
	s5 =	simm.s32 $0xFFFFFFFF;
	p2 =	slt.u32 s8, $0xFFFFF086  }
0x1c: {  	p1 =	slt.u32 s9, $0xF7A;
	s5 =	simm.s32 @!p2 $0x0  }
0x1d: {  	s5 =	simm.s32 @p1 $0x1;
	p0 =	seq.s32 s7, s2  }
0x1e: {  	s7 =	smul.u32 @!p0 $0xF7A, s2;
	p2 =	seq.s32 @!p0 s5, $0x0  }
0x1f: {  	s9 =	smul.u32 $0xF7A, s1;
	s8 =	simm.s32 @!p0 $0x1BF5;
	p2 =	por !p2, p0  }
0x20: {  	[sflag:s8] =	ssyncset.s32 @!p0 $0xFFFFF086;
	s6 =	sadd.s32 @!p0 s3, s7;
	s7 =	simm.s32 @!p0 $0x108  }
0x21: {  	s3 =	sadd.s32 s3, s9;
	s6 =	sadd.s32 @!p0 $0x88, s6;
	s7 =	simm.s32 @p2 $0x1082  }
0x22: {  	[simem:s7], [sflag:s8] =	dma.local @!p0 [hbm:s6], $0xF7A  }
0x23: {  	s9 =	sor.u32 $0xD0000000, s2;
	s6 =	simm.s32 $0x108;
	_ =	swait.ge @!p0 [sflag:s8], $0x0  }
0x24: {  	s3 =	sadd.s32 $0x88, s3;
	s6 =	simm.s32 @!p1 $0x1082;
	[sflag:s4] =	ssyncset.s32 $0xFFFFF086  }
0x25: {  	[simem:s6], [sflag:s4] =	dma.local [hbm:s3], $0xF7A  }
0x26: {  	[smem:$0x3F99] =	sst s1;
	(tag) =	ssettag s2;
	_ =	strace s9  }
0x27: {  	s1 =	sld [smem:$0x3FA9]  }
0x28: {  	s2 =	sld [smem:$0x3FAA]  }
0x29: {  	s4 =	sld [smem:$0x3FAC]  }
0x2a: {  	p0 =	seq.s32 s5, $0x0;
	s5 =	sld [smem:$0x3FAD]  }
0x2b: {  	s6 =	sld [smem:$0x3FAE]  }
0x2c: {  	s7 =	sld [smem:$0x3FAF]  }
0x2d: {  	s3 =	simm.s32 $0x108;
	s8 =	sld [smem:$0x3FB0]  }
0x2e: {  	s3 =	simm.s32 @!p0 $0x1082;
	s9 =	sld [smem:$0x3FB1]  }
0x2f: {  	lr =	sadd.s32 s0, s3;
	s0 =	sld [smem:$0x3FA8]  }
0x30: {  	s3 =	sld [smem:$0x3FAB]  }
0x31: {  	[smem:$0x3FB4] =	sst s10  }
0x32: {  	s10 =	sld [smem:$0x3FB2];
	_ =	sdelay $0x3  }
0x33: {  	p0 =	seq.s32 s10, $0x1;
	s10 =	sld [smem:$0x3FB4];
	_ =	sdelay $0x3  }
0x34: {  	[smem:$0x3FB4] =	sst s10  }
0x35: {  	s10 =	sld [smem:$0x3FB3];
	_ =	sdelay $0x3  }
0x36: {  	p1 =	seq.s32 s10, $0x1;
	s10 =	sld [smem:$0x3FB4];
	_ =	sdelay $0x3  }
0x37: {  	[smem:$0x3FB4] =	sst s10  }
0x38: {  	s10 =	sld [smem:$0x3FB5]  }
0x39: {  	_ = 	snop;
	(pc) =	sbr.ind lr, $3  }
0x3a: {  	_ = 	snop  }
0x3b: {  	_ = 	snop  }
0x3c: {  	p2 =	seq.s32 s10, $0x1;
	s10 =	sld [smem:$0x3FB4]  }
0x3d: {  	_ =	shalt  }
0x3e: {  	_ =	shalt  }
0x3f: {  	_ =	shalt  }
0x40: {  	_ =	shalt  }
0x41: {  	_ =	shalt  }
0x42: {  	_ =	shalt  }
0x43: {  	_ =	shalt  }
0x44: {  	_ =	shalt  }
0x45: {  	_ =	shalt  }
0x46: {  	_ =	shalt  }
0x47: {  	_ =	shalt  }
0x48: {  	_ =	shalt  }
0x49: {  	_ =	shalt  }
0x4a: {  	_ =	shalt  }
0x4b: {  	_ =	shalt  }
0x4c: {  	_ =	shalt  }
0x4d: {  	_ =	shalt  }
0x4e: {  	_ =	shalt  }
0x4f: {  	_ =	shalt  }
0x50: {  	_ =	shalt  }
0x51: {  	_ =	shalt  }
0x52: {  	_ =	shalt  }
0x53: {  	_ =	shalt  }
0x54: {  	_ =	shalt  }
0x55: {  	_ =	shalt  }
0x56: {  	_ =	shalt  }
0x57: {  	_ =	shalt  }
0x58: {  	_ =	shalt  }
0x59: {  	_ =	shalt  }
0x5a: {  	_ =	shalt  }
0x5b: {  	_ =	shalt  }
0x5c: {  	_ =	shalt  }
0x5d: {  	_ =	shalt  }
0x5e: {  	_ =	shalt  }
0x5f: {  	_ =	shalt  }
0x60: {  	_ =	shalt  }
0x61: {  	_ =	shalt  }
0x62: {  	_ =	shalt  }
0x63: {  	_ =	shalt  }
0x64: {  	_ =	shalt  }
0x65: {  	_ =	shalt  }
0x66: {  	_ =	shalt  }
0x67: {  	_ =	shalt  }
0x68: {  	_ =	shalt  }
0x69: {  	_ =	shalt  }
0x6a: {  	_ =	shalt  }
0x6b: {  	_ =	shalt  }
0x6c: {  	_ =	shalt  }
0x6d: {  	_ =	shalt  }
0x6e: {  	_ =	shalt  }
0x6f: {  	_ =	shalt  }
0x70: {  	_ =	shalt  }
0x71: {  	_ =	shalt  }
0x72: {  	_ =	shalt  }
0x73: {  	_ =	shalt  }
0x74: {  	_ =	shalt  }
0x75: {  	_ =	shalt  }
0x76: {  	_ =	shalt  }
0x77: {  	_ =	shalt  }
0x78: {  	_ =	shalt  }
0x79: {  	_ =	shalt  }
0x7a: {  	_ =	shalt  }
0x7b: {  	_ =	shalt  }
0x7c: {  	_ =	shalt  }
0x7d: {  	_ =	shalt  }
0x7e: {  	_ =	shalt  }
0x7f: {  	_ =	shalt  }
0x80: {  	_ =	shalt  }
0x81: {  	_ =	shalt  }
0x82: {  	_ =	shalt  }
0x83: {  	_ =	shalt  }
0x84: {  	_ =	shalt  }
0x85: {  	_ =	shalt  }
0x86: {  	_ =	shalt  }
0x87: {  	_ =	shalt  }
.Lfunc_end0:
.L_simem_size_0:
called_computation_lowered:
.L_overlay_start_0:
0x88: {  	s2 =	sld [smem:$0x3FD9]  }
0x89: {  	s3 =	sld [smem:$0x3FFE];
	_ =	sdelay $0x1  }
0x8a: {  	s1 =	srdreg.scid  }
0x8b: {  	s0 =	sand.u32 $0x1, s1  }
0x8c: {  	s17 =	sshll.u32 s0, $0xA;
	s2 =	sadd.s32 s3, s2  }
0x8d: {  	s2 =	sadd.s32 s2, s17  }
0x8e: {  	[smem:$0x3FC0] =	sst s2  }
0x8f: {  	_ = 	snop  }
0x90: {  	s2 =	sld [smem:$0x3FD0];
	(tm) =	ssettm $0x1  }
0x91: {  	s18 =	sld [smem:$0x3FFB];
	_ =	sdelay $0x3  }
0x92: {  	_ =	strace s18  }
0x93: {  	s3 =	sld [smem:$0x3FFC];
	_ =	sdelay $0x3  }
0x94: {  	_ =	strace s3  }
0x95: {  	s3 =	sld [smem:$0x3FFD];
	_ =	sdelay $0x3  }
0x96: {  	_ =	strace s3  }
0x97: {  	_ =	strace $0x8FFFFFFF  }
0x98: {  	s19 =	sld [smem:$0x3FDB];
	_ =	sdelay $0x1  }
0x99: {  	s4 =	simm.s32 $_scs_section_size  }
0x9a: {  	s5 =	simm.s32 $_size__tile_overlayer_lowered;
	s6 =	simm.s32 $_tile_overlayer_lowered  }
0x9b: {  	s22 =	simm.s32 $0x1BFF;
	s21 =	sshll.u32 s6, $0x1;
	s3 =	sadd.s32 s4, s19  }
0x9c: {  	s7 =	simm.s32 $0x0;
	s20 =	sshll.u32 s5, $0x1;
	s5 =	sadd.s32 s21, s3  }
0x9d: {  	[timem:s7], [sflag:s22] =	dma.local [hbm:s5], s20  }
0x9e: {  	_ =	swait.ge [sflag:s22], s20  }
0x9f: {  	s4 =	ssub.s32 $0x0, s20;
	[sflag:s22] =	ssyncset.done $0x0  }
0xa0: {  	[sflag:s22] =	ssyncadd.s32 s4;
	_ =	sdelay $0x1  }
0xa1: {  	s23 =	simm.s32 $0x1B8B  }
0xa2: {  	_ =	swait.ge [sflag:s23], $0x1  }
0xa3: {  	[sflag:s23] =	ssyncset.done $0x0  }
0xa4: {  	s25 =	simm.s32 $0x1B8E;
	s24 =	sld [smem:$0x3FFE];
	[sflag:s23] =	ssyncadd.s32 $0xFFFFFFFF  }
0xa5: {  	s26 =	simm.s32 $execute0_lowered;
	[smem:$0x3FD2] =	sst s25  }
0xa6: {  	s5 =	sshll.u32 s26, $0x1;
	_ =	strace $0x80000046;
	[dreg:$0x1] =	wrdreg $0xFFFFFFFF  }
0xa7: {  	s28 =	simm.s32 $_size_execute0_lowered;
	s3 =	sadd.s32 s3, s5;
	[dreg:$0x0] =	wrdreg $0x0  }
0xa8: {  	s5 =	sshll.u32 s28, $0x1;
	[dreg:$0x2] =	wrdreg s3  }
0xa9: {  	[dreg:$0x3] =	wrdreg s5  }
0xaa: {  	[dreg:$0x4] =	wrdreg $0xC0  }
0xab: {  	_ =	task [dreg:s7], $0x5FFFF  }
0xac: {  	[dreg:$0x1] =	wrdreg $0xFFFFFFFF  }
0xad: {  	[dreg:$0x0] =	wrdreg $0x60  }
0xae: {  	[dreg:$0x2] =	wrdreg s24  }
0xaf: {  	[dreg:$0x3] =	wrdreg s2  }
0xb0: {  	[dreg:$0x4] =	wrdreg $0x68000  }
0xb1: {  	[dreg:$0x5] =	wrdreg $0x9  }
0xb2: {  	_ =	task.clear_ibuf [dreg:s7], $0x6FFFF;
	_ =	strace $0x90000046  }
0xb3: {  	s29 =	simm.s32 $0x9;
	_ =	strace $0x80000048  }
0xb4: {  	_ =	swait.ge [sflag:s29], $0x1  }
0xb5: {  	[sflag:s29] =	ssyncadd.s32 $0xFFFFFFFF  }
0xb6: {  	_ =	strace $0x90000048  }
0xb7: {  	_ =	sfence  }
0xb8: {  	s30 =	sld [smem:$0x0];
	_ =	sdelay $0x2  }
0xb9: {  	s31 =	sshll.u32 s1, $0xD;
	s1 =	sshrl.u32 s1, $0x2  }
0xba: {  	s3 =	sand.u32 $0x4000, s31;
	s1 =	sadd.s32 s1, s30  }
0xbb: {  	s0 =	sor.u32 s3, s0;
	s1 =	sshll.u32 s1, $0x11  }
0xbc: {  	s0 =	sor.u32 s1, s0  }
0xbd: {  	s0 =	sadd.s32 $0x8F2B, s0  }
0xbe: {  	[sflag:s0] =	ssyncadd.remote.s32 $0x1  }
0xbf: {  	_ =	sfence.sel $0xFFFF  }
0xc0: {  	[dreg:$0x0] =	wrdreg $0xFFFFFFFF;
	(pc) =	sbr.abs _section_cstart, $3  }
0xc1: {  	[dreg:$0x1] =	wrdreg $0xFFFFFFFF  }
0xc2: {  	_ =	task.clear_ibuf [dreg:s7], $0x2FFFF;
	_ =	strace $0x9FFFFFFF  }
0xc3: {  	(tm) =	ssettm $0x7FFFFFFF  }
tec
execute0_lowered:
.L_overlay_start_1:
0x0: {  	(tag) =	ssettag $0x1  }
0x1: {  	s5 =	rddreg [dreg:$0x0]  }
0x2: {  	s0 =	srdreg.scid;
	s2 =	rddreg [dreg:$0x1]  }
0x3: {  	s3 =	rddreg [dreg:$0x2];
	s6 =	sand.u32 $0x1, s0  }
0x4: {  	s0 =	stileid.u32;
	s7 =	smul.u32 $0x28000, s6  }
0x5: {  	s1 =	rddreg [dreg:$0x3];
	s8 =	smul.u32 $0x2800, s0  }
0x6: {  	s4 =	simm.s32 $0x0;
	s13 =	simm.s32 $0x80;
	s28 =	smul.u32 $0x14000, s0  }
0x7: {  	s14 =	simm.s32 $0x0;
	[smem:$0x7FF] =	sst s4;
	s9 =	smul.u32 $0x140000, s6  }
0x8: {  	_ =	strace $0x80000047;
	s6 =	ssub.s32 $0x2, s6;
	s29 =	smul.u32 $0x50000, s0  }
0x9: {  	s31 =	sshll.u32 s0, $0x6;
	s11 =	sshrl.u32 s6, $0x1;
	s7 =	sadd.s32 s8, s7  }
0xa: {  	s10 =	sshrl.u32 s28, $0x3;
	s8 =	sadd.s32 s28, s9;
	s11 =	ssub.s32 s6, s11  }
0xb: {  	s30 =	sshrl.u32 s29, $0x2;
	s6 =	sor.u32 $0x1C01, s31;
	s7 =	sshrl.u32 s7, $0x3  }
0xc: {  	s10 =	sadd.s32 s10, s5;
	s8 =	sshrl.u32 s8, $0x3;
	s12 =	sadd.s32 s30, s3  }
0xd: {  	s9 =	smax.u32 s11, $0x1;
	s11 =	simm.s32 $0x1;
	s7 =	sadd.s32 s7, s5  }
0xe: {  	s8 =	sadd.s32 s8, s5;
	s5 =	sadd.s32 $0xD200, s10;
	s10 =	sshrl.u32 s12, $0x3  }
0xf: {  	s12 =	simm.s32 $0x2800;
	s7 =	sadd.s32 $0x3200, s7;
	s8 =	sadd.s32 $0x35200, s8  }
.LBB2_1:
0x10: {  	[spmem:s10], [sflag:s6] =	dma.local [hbm:s5], $0x2800  }
0x11: {  	_ =	swait.ge [sflag:s11], $0x2800  }
0x12: {  	[sflag:s11] =	ssyncset.done $0x0  }
0x13: {  	[sflag:s11] =	ssyncadd.s32 $0xFFFFD800  }
0x14: {  	[tilespmem:s12], [sflag:$0x1] =	stream.linear.gather [hbm4b:s2+s4], $0x4000, $0x38;
	[tilespmem:$0xB800] =	vst v63  }
0x15: {  	_ =	swait.ge [sflag:s11], $0x4000  }
0x16: {  	[sflag:s11] =	ssyncset.done $0x0  }
0x17: {  	[sflag:s11] =	ssyncadd.s32 $0xFFFFC000  }
0x18: {  	[tilespmem:s4], [sflag:$0x1] =	stream.linear.gather [hbm4b:s7+s4], $0x2780, $0x38;
	[tilespmem:$0xB800] =	vst v63  }
0x19: {  	_ =	swait.ge [sflag:s11], $0x2780  }
0x1a: {  	[sflag:s11] =	ssyncset.done $0x0  }
0x1b: {  	[sflag:s11] =	ssyncadd.s32 $0xFFFFD880  }
0x1c: {  	s15 =	simm.s32 $0x0;
	[bflag:$0x0] =	sbarrier.arrive $0xFFFF  }
0x1d: {  	[spmem:s3] =	stream.indirect.scatter.add.f32 [tilespmem:s12], [sflag:$0x1], $0x20, s15, s13, $0xb8;
	[tilespmem:$0xB800] =	vst v63  }
0x1e: {  	_ =	swait.ge [sflag:s11], $0x1000  }
0x1f: {  	s15 =	simm.s32 $0x200;
	[sflag:s11] =	ssyncset.done $0x0  }
.LBB2_2:
0x20: {  	s16 =	sshra.s32 s15, $0x2;
	[sflag:s11] =	ssyncadd.s32 $0xFFFFF000;
	p0 =	sne.s32 s15, $0x9C00  }
0x21: {  	[spmem:s3] =	stream.indirect.scatter.add.f32 [tilespmem:s12], [sflag:$0x1], $0x20, s16, s13, $0xb8;
	[tilespmem:$0xB800] =	vst v63  }
.Ltmp0:
0x22: {  	_ = 	snop;
	(pc) =	sbr.rel @p0 .LBB2_2-.Ltmp0, $4  }
0x23: {  	_ = 	snop  }
0x24: {  	s15 =	sadd.s32 $0x200, s15  }
0x25: {  	_ =	swait.ge [sflag:s11], $0x1000  }
0x26: {  	[sflag:s11] =	ssyncset.done $0x0  }
0x27: {  	s14 =	sadd.s32 $0x1, s14  }
0x28: {  	[sflag:s11] =	ssyncadd.s32 $0xFFFFF000;
	p0 =	sne.s32 s14, s9  }
.Ltmp1:
0x29: {  	[bflag:$0x0] =	sbarrier.arrive $0xFFFF;
	(pc) =	sbr.rel @p0 .LBB2_1-.Ltmp1, $4  }
0x2a: {  	[hbm:s8], [sflag:s6] =	dma.local [spmem:s10], $0x2800  }
0x2b: {  	_ =	swait.ge [sflag:s11], $0x2800  }
0x2c: {  	[sflag:s11] =	ssyncset.done $0x0  }
0x2d: {  	[sflag:s11] =	ssyncadd.s32 $0xFFFFD800  }
0x2e: {  	_ =	sfence.sel $0x180000  }
0x2f: {  	[bflag:$0x0] =	sbarrier.arrive $0xFFFF  }
0x30: {  	p0 =	sne.s32 s0, $0x0;
	_ =	strace $0x90000047  }
0x31: {  	s0 =	sadd.s32 @!p0 $0x100000, s1;
	[bflag:$0x2] =	sbarrier.arrive $0xFFFF  }
0x32: {  	[sflag:s0] =	ssyncadd.tile.s32 @!p0 $0x1;
	_ =	shalt  }
.Lfunc_end2:
_tile_overlayer_lowered:
.L_overlay_start_2:
0x33: {  	(tag) =	ssettag $0x2  }
0x34: {  	s0 =	rddreg [dreg:$0x0];
	s2 =	stileid.u32  }
0x35: {  	s1 =	rddreg [dreg:$0x1];
	p0 =	sne.s32 s2, $0x0  }
0x36: {  	s3 =	rddreg [dreg:$0x2];
	[bflag:$0x3] =	sbarrier.arrive $0xFFFF;
	s2 =	simm.s32 @!p0 $0x1C01  }
0x37: {  	[timem:s3], [sflag:s2] =	dma.local @!p0 [hbm:s0], s1  }
0x38: {  	s0 =	simm.s32 @!p0 $0x1  }
0x39: {  	_ =	swait.ge @!p0 [sflag:s0], s1  }
0x3a: {  	s1 =	ssub.s32 @!p0 $0x0, s1;
	[sflag:s0] =	ssyncset.done @!p0 $0x0  }
0x3b: {  	[sflag:s0] =	ssyncadd.s32 @!p0 s1  }
0x3c: {  	[bflag:$0x3] =	sbarrier.arrive $0xFFFF  }
0x3d: {  	_ =	shalt  }

// kernel: kernel.13.cloned.1.call-start
scs
__scs_entry_jumppad:
0x0: {  	(pc) =	sbr.rel $0x88, $3  }
0x1: {  	(tag) =	ssettag $0x0;
	lr =	simm.s32 $0x1  }
0x2: {  	[smem:$0x3F99] =	sst lr;
	_ =	strace $0xD0000000  }
0x3: {  	_ = 	snop  }
0x4: {  	_ = 	snop  }
0x5: {  	_ = 	snop  }
0x6: {  	_ = 	snop  }
0x7: {  	_ = 	snop  }
__scs_overlays_trampoline_lowered:
0x8: {  	[smem:$0x3FA8] =	sst s0  }
0x9: {  	[smem:$0x3FA9] =	sst s1  }
0xa: {  	[smem:$0x3FAA] =	sst s2  }
0xb: {  	[smem:$0x3FAB] =	sst s3  }
0xc: {  	[smem:$0x3FAC] =	sst s4  }
0xd: {  	[smem:$0x3FAD] =	sst s5  }
0xe: {  	[smem:$0x3FAE] =	sst s6  }
0xf: {  	[smem:$0x3FAF] =	sst s7  }
0x10: {  	[smem:$0x3FB0] =	sst s8  }
0x11: {  	[smem:$0x3FB1] =	sst s9;
	s0 =	simm.s32 @!p0 $0x0  }
0x12: {  	s1 =	sld [smem:$0x3F97];
	s0 =	simm.s32 @p0 $0x1  }
0x13: {  	[smem:$0x3FB2] =	sst s0;
	s0 =	simm.s32 @!p1 $0x0  }
0x14: {  	s2 =	sld [smem:$0x3F96];
	s0 =	simm.s32 @p1 $0x1  }
0x15: {  	[smem:$0x3FB3] =	sst s0;
	s0 =	simm.s32 @!p2 $0x0  }
0x16: {  	s3 =	sld [smem:$0x3FDB];
	s0 =	simm.s32 @p2 $0x1  }
0x17: {  	s4 =	simm.s32 $0x1BF5;
	[smem:$0x3FB5] =	sst s0  }
0x18: {  	s0 =	sld [smem:$0x3F98];
	_ =	swait.ge [sflag:s4], $0x0  }
0x19: {  	s7 =	sld [smem:$0x3F99]  }
0x1a: {  	s8 =	sadd.s32 $0xFFFFE003, lr  }
0x1b: {  	s9 =	sadd.s32 $0xFFFFFEF7, lr;
	s5 =	simm.s32 $0xFFFFFFFF;
	p2 =	slt.u32 s8, $0xFFFFF086  }
0x1c: {  	p1 =	slt.u32 s9, $0xF7A;
	s5 =	simm.s32 @!p2 $0x0  }
0x1d: {  	s5 =	simm.s32 @p1 $0x1;
	p0 =	seq.s32 s7, s2  }
0x1e: {  	s7 =	smul.u32 @!p0 $0xF7A, s2;
	p2 =	seq.s32 @!p0 s5, $0x0  }
0x1f: {  	s9 =	smul.u32 $0xF7A, s1;
	s8 =	simm.s32 @!p0 $0x1BF5;
	p2 =	por !p2, p0  }
0x20: {  	[sflag:s8] =	ssyncset.s32 @!p0 $0xFFFFF086;
	s6 =	sadd.s32 @!p0 s3, s7;
	s7 =	simm.s32 @!p0 $0x108  }
0x21: {  	s3 =	sadd.s32 s3, s9;
	s6 =	sadd.s32 @!p0 $0x88, s6;
	s7 =	simm.s32 @p2 $0x1082  }
0x22: {  	[simem:s7], [sflag:s8] =	dma.local @!p0 [hbm:s6], $0xF7A  }
0x23: {  	s9 =	sor.u32 $0xD0000000, s2;
	s6 =	simm.s32 $0x108;
	_ =	swait.ge @!p0 [sflag:s8], $0x0  }
0x24: {  	s3 =	sadd.s32 $0x88, s3;
	s6 =	simm.s32 @!p1 $0x1082;
	[sflag:s4] =	ssyncset.s32 $0xFFFFF086  }
0x25: {  	[simem:s6], [sflag:s4] =	dma.local [hbm:s3], $0xF7A  }
0x26: {  	[smem:$0x3F99] =	sst s1;
	(tag) =	ssettag s2;
	_ =	strace s9  }
0x27: {  	s1 =	sld [smem:$0x3FA9]  }
0x28: {  	s2 =	sld [smem:$0x3FAA]  }
0x29: {  	s4 =	sld [smem:$0x3FAC]  }
0x2a: {  	p0 =	seq.s32 s5, $0x0;
	s5 =	sld [smem:$0x3FAD]  }
0x2b: {  	s6 =	sld [smem:$0x3FAE]  }
0x2c: {  	s7 =	sld [smem:$0x3FAF]  }
0x2d: {  	s3 =	simm.s32 $0x108;
	s8 =	sld [smem:$0x3FB0]  }
0x2e: {  	s3 =	simm.s32 @!p0 $0x1082;
	s9 =	sld [smem:$0x3FB1]  }
0x2f: {  	lr =	sadd.s32 s0, s3;
	s0 =	sld [smem:$0x3FA8]  }
0x30: {  	s3 =	sld [smem:$0x3FAB]  }
0x31: {  	[smem:$0x3FB4] =	sst s10  }
0x32: {  	s10 =	sld [smem:$0x3FB2];
	_ =	sdelay $0x3  }
0x33: {  	p0 =	seq.s32 s10, $0x1;
	s10 =	sld [smem:$0x3FB4];
	_ =	sdelay $0x3  }
0x34: {  	[smem:$0x3FB4] =	sst s10  }
0x35: {  	s10 =	sld [smem:$0x3FB3];
	_ =	sdelay $0x3  }
0x36: {  	p1 =	seq.s32 s10, $0x1;
	s10 =	sld [smem:$0x3FB4];
	_ =	sdelay $0x3  }
0x37: {  	[smem:$0x3FB4] =	sst s10  }
0x38: {  	s10 =	sld [smem:$0x3FB5]  }
0x39: {  	_ = 	snop;
	(pc) =	sbr.ind lr, $3  }
0x3a: {  	_ = 	snop  }
0x3b: {  	_ = 	snop  }
0x3c: {  	p2 =	seq.s32 s10, $0x1;
	s10 =	sld [smem:$0x3FB4]  }
0x3d: {  	_ =	shalt  }
0x3e: {  	_ =	shalt  }
0x3f: {  	_ =	shalt  }
0x40: {  	_ =	shalt  }
0x41: {  	_ =	shalt  }
0x42: {  	_ =	shalt  }
0x43: {  	_ =	shalt  }
0x44: {  	_ =	shalt  }
0x45: {  	_ =	shalt  }
0x46: {  	_ =	shalt  }
0x47: {  	_ =	shalt  }
0x48: {  	_ =	shalt  }
0x49: {  	_ =	shalt  }
0x4a: {  	_ =	shalt  }
0x4b: {  	_ =	shalt  }
0x4c: {  	_ =	shalt  }
0x4d: {  	_ =	shalt  }
0x4e: {  	_ =	shalt  }
0x4f: {  	_ =	shalt  }
0x50: {  	_ =	shalt  }
0x51: {  	_ =	shalt  }
0x52: {  	_ =	shalt  }
0x53: {  	_ =	shalt  }
0x54: {  	_ =	shalt  }
0x55: {  	_ =	shalt  }
0x56: {  	_ =	shalt  }
0x57: {  	_ =	shalt  }
0x58: {  	_ =	shalt  }
0x59: {  	_ =	shalt  }
0x5a: {  	_ =	shalt  }
0x5b: {  	_ =	shalt  }
0x5c: {  	_ =	shalt  }
0x5d: {  	_ =	shalt  }
0x5e: {  	_ =	shalt  }
0x5f: {  	_ =	shalt  }
0x60: {  	_ =	shalt  }
0x61: {  	_ =	shalt  }
0x62: {  	_ =	shalt  }
0x63: {  	_ =	shalt  }
0x64: {  	_ =	shalt  }
0x65: {  	_ =	shalt  }
0x66: {  	_ =	shalt  }
0x67: {  	_ =	shalt  }
0x68: {  	_ =	shalt  }
0x69: {  	_ =	shalt  }
0x6a: {  	_ =	shalt  }
0x6b: {  	_ =	shalt  }
0x6c: {  	_ =	shalt  }
0x6d: {  	_ =	shalt  }
0x6e: {  	_ =	shalt  }
0x6f: {  	_ =	shalt  }
0x70: {  	_ =	shalt  }
0x71: {  	_ =	shalt  }
0x72: {  	_ =	shalt  }
0x73: {  	_ =	shalt  }
0x74: {  	_ =	shalt  }
0x75: {  	_ =	shalt  }
0x76: {  	_ =	shalt  }
0x77: {  	_ =	shalt  }
0x78: {  	_ =	shalt  }
0x79: {  	_ =	shalt  }
0x7a: {  	_ =	shalt  }
0x7b: {  	_ =	shalt  }
0x7c: {  	_ =	shalt  }
0x7d: {  	_ =	shalt  }
0x7e: {  	_ =	shalt  }
0x7f: {  	_ =	shalt  }
0x80: {  	_ =	shalt  }
0x81: {  	_ =	shalt  }
0x82: {  	_ =	shalt  }
0x83: {  	_ =	shalt  }
0x84: {  	_ =	shalt  }
0x85: {  	_ =	shalt  }
0x86: {  	_ =	shalt  }
0x87: {  	_ =	shalt  }
.Lfunc_end0:
.L_simem_size_0:
called_computation.1_lowered:
.L_overlay_start_0:
0x88: {  	s2 =	sld [smem:$0x3FD9]  }
0x89: {  	s3 =	sld [smem:$0x3FFE];
	_ =	sdelay $0x1  }
0x8a: {  	s1 =	srdreg.scid  }
0x8b: {  	s0 =	sand.u32 $0x1, s1  }
0x8c: {  	s17 =	sshll.u32 s0, $0xA;
	s2 =	sadd.s32 s3, s2  }
0x8d: {  	s2 =	sadd.s32 s2, s17  }
0x8e: {  	[smem:$0x3FC0] =	sst s2  }
0x8f: {  	_ = 	snop  }
0x90: {  	s2 =	sld [smem:$0x3FD0];
	(tm) =	ssettm $0x1  }
0x91: {  	s18 =	sld [smem:$0x3FFB];
	_ =	sdelay $0x3  }
0x92: {  	_ =	strace s18  }
0x93: {  	s3 =	sld [smem:$0x3FFC];
	_ =	sdelay $0x3  }
0x94: {  	_ =	strace s3  }
0x95: {  	s3 =	sld [smem:$0x3FFD];
	_ =	sdelay $0x3  }
0x96: {  	_ =	strace s3  }
0x97: {  	_ =	strace $0x8FFFFFFF  }
0x98: {  	s19 =	sld [smem:$0x3FDB];
	_ =	sdelay $0x1  }
0x99: {  	s4 =	simm.s32 $_scs_section_size  }
0x9a: {  	s5 =	simm.s32 $_size__tile_overlayer_lowered;
	s6 =	simm.s32 $_tile_overlayer_lowered  }
0x9b: {  	s22 =	simm.s32 $0x1BFF;
	s21 =	sshll.u32 s6, $0x1;
	s3 =	sadd.s32 s4, s19  }
0x9c: {  	s7 =	simm.s32 $0x0;
	s20 =	sshll.u32 s5, $0x1;
	s5 =	sadd.s32 s21, s3  }
0x9d: {  	[timem:s7], [sflag:s22] =	dma.local [hbm:s5], s20  }
0x9e: {  	_ =	swait.ge [sflag:s22], s20  }
0x9f: {  	s4 =	ssub.s32 $0x0, s20;
	[sflag:s22] =	ssyncset.done $0x0  }
0xa0: {  	[sflag:s22] =	ssyncadd.s32 s4;
	_ =	sdelay $0x1  }
0xa1: {  	s23 =	simm.s32 $0x1B8B  }
0xa2: {  	_ =	swait.ge [sflag:s23], $0x1  }
0xa3: {  	[sflag:s23] =	ssyncset.done $0x0  }
0xa4: {  	s25 =	simm.s32 $0x1B8E;
	s24 =	sld [smem:$0x3FFE];
	[sflag:s23] =	ssyncadd.s32 $0xFFFFFFFF  }
0xa5: {  	s26 =	simm.s32 $execute0_lowered;
	[smem:$0x3FD2] =	sst s25  }
0xa6: {  	s5 =	sshll.u32 s26, $0x1;
	_ =	strace $0x80000049;
	[dreg:$0x1] =	wrdreg $0xFFFFFFFF  }
0xa7: {  	s28 =	simm.s32 $_size_execute0_lowered;
	s3 =	sadd.s32 s3, s5;
	[dreg:$0x0] =	wrdreg $0x0  }
0xa8: {  	s5 =	sshll.u32 s28, $0x1;
	[dreg:$0x2] =	wrdreg s3  }
0xa9: {  	[dreg:$0x3] =	wrdreg s5  }
0xaa: {  	[dreg:$0x4] =	wrdreg $0xC0  }
0xab: {  	_ =	task [dreg:s7], $0x5FFFF  }
0xac: {  	[dreg:$0x1] =	wrdreg $0xFFFFFFFF  }
0xad: {  	[dreg:$0x0] =	wrdreg $0x60  }
0xae: {  	[dreg:$0x2] =	wrdreg s2  }
0xaf: {  	[dreg:$0x3] =	wrdreg s24  }
0xb0: {  	[dreg:$0x4] =	wrdreg $0x90000  }
0xb1: {  	[dreg:$0x5] =	wrdreg $0x9  }
0xb2: {  	_ =	task.clear_ibuf [dreg:s7], $0x6FFFF;
	_ =	strace $0x90000049  }
0xb3: {  	s29 =	simm.s32 $0x9;
	_ =	strace $0x8000004B  }
0xb4: {  	_ =	swait.ge [sflag:s29], $0x1  }
0xb5: {  	[sflag:s29] =	ssyncadd.s32 $0xFFFFFFFF  }
0xb6: {  	_ =	strace $0x9000004B  }
0xb7: {  	_ =	sfence  }
0xb8: {  	s30 =	sld [smem:$0x0];
	_ =	sdelay $0x2  }
0xb9: {  	s31 =	sshll.u32 s1, $0xD;
	s1 =	sshrl.u32 s1, $0x2  }
0xba: {  	s3 =	sand.u32 $0x4000, s31;
	s1 =	sadd.s32 s1, s30  }
0xbb: {  	s0 =	sor.u32 s3, s0;
	s1 =	sshll.u32 s1, $0x11  }
0xbc: {  	s0 =	sor.u32 s1, s0  }
0xbd: {  	s0 =	sadd.s32 $0x8F2B, s0  }
0xbe: {  	[sflag:s0] =	ssyncadd.remote.s32 $0x1  }
0xbf: {  	_ =	sfence.sel $0xFFFF  }
0xc0: {  	[dreg:$0x0] =	wrdreg $0xFFFFFFFF;
	(pc) =	sbr.abs _section_cstart, $3  }
0xc1: {  	[dreg:$0x1] =	wrdreg $0xFFFFFFFF  }
0xc2: {  	_ =	task.clear_ibuf [dreg:s7], $0x2FFFF;
	_ =	strace $0x9FFFFFFF  }
0xc3: {  	(tm) =	ssettm $0x7FFFFFFF  }
tec
execute0_lowered:
.L_overlay_start_1:
0x0: {  	(tag) =	ssettag $0x1  }
0x1: {  	s1 =	rddreg [dreg:$0x0]  }
0x2: {  	s6 =	rddreg [dreg:$0x1]  }
0x3: {  	s0 =	srdreg.scid;
	s3 =	rddreg [dreg:$0x2]  }
0x4: {  	s2 =	rddreg [dreg:$0x3];
	s5 =	sand.u32 $0x1, s0  }
0x5: {  	s4 =	simm.s32 $0x0;
	s0 =	stileid.u32;
	s7 =	smul.u32 $0x28000, s5  }
0x6: {  	s14 =	simm.s32 $0x5000;
	s15 =	simm.s32 $0x2;
	s8 =	smul.u32 $0x2800, s0  }
0x7: {  	s16 =	simm.s32 $0x2800;
	s17 =	simm.s32 $0x80;
	s9 =	smul.u32 $0x140000, s5  }
0x8: {  	s18 =	simm.s32 $0x1;
	[smem:$0x7FF] =	sst s4;
	s26 =	smul.u32 $0x14000, s0  }
0x9: {  	s10 =	smul.u32 $0x50000, s0;
	s29 =	ssub.s32 $0x2, s5;
	s19 =	sshll.u32 s0, $0x6  }
0xa: {  	_ =	strace $0x8000004A;
	s31 =	sshrl.u32 s29, $0x1;
	s19 =	sor.u32 $0x1C02, s19  }
0xb: {  	s7 =	sadd.s32 s8, s7;
	s28 =	sadd.s32 s26, s9;
	s30 =	sshrl.u32 s10, $0x2  }
0xc: {  	s13 =	ssub.s32 s29, s31;
	s7 =	sshrl.u32 s7, $0x3;
	s5 =	sadd.s32 s30, s3  }
0xd: {  	s13 =	smax.u32 s13, $0x1;
	s11 =	sadd.s32 s7, s6;
	s7 =	sshrl.u32 s28, $0x3  }
0xe: {  	s8 =	sadd.s32 $0xC000, s5;
	s9 =	sadd.s32 $0x10000, s5;
	s20 =	sshrl.u32 s5, $0x3  }
0xf: {  	s12 =	sadd.s32 s7, s6;
	s6 =	sadd.s32 $0x4000, s5;
	s7 =	sadd.s32 $0x8000, s5  }
0x10: {  	v0 =	vimm.f32 $0.0e+00;
	s10 =	sadd.s32 $0x85200, s11;
	s11 =	sadd.s32 $0x3200, s11;
	s12 =	sadd.s32 $0xD200, s12  }
.LBB2_1:
0x11: {  	s21 =	simm.s32 $0x0;
	s22 =	simm.s32 $0x200  }
.LBB2_2:
0x12: {  	p0 =	sne.s32 s22, $0xFE00;
	[tilespmem:s21+$0x5070] =	vst v0  }
0x13: {  	[tilespmem:s21+$0x5000] =	vst v0  }
0x14: {  	[tilespmem:s21+$0x5010] =	vst v0  }
.Ltmp0:
0x15: {  	[tilespmem:s21+$0x5020] =	vst v0;
	(pc) =	sbr.rel @p0 .LBB2_2-.Ltmp0, $4  }
0x16: {  	[tilespmem:s21+$0x5030] =	vst v0  }
0x17: {  	[tilespmem:s21+$0x5040] =	vst v0  }
0x18: {  	[tilespmem:s21+$0x5050] =	vst v0  }
0x19: {  	[tilespmem:s21+$0x5060] =	vst v0;
	s21 =	sshra.s32 s22, $0x2;
	s22 =	sadd.s32 $0x200, s22  }
0x1a: {  	[tilespmem:s21+$0x5070] =	vst v0  }
0x1b: {  	[tilespmem:s21+$0x5000] =	vst v0  }
0x1c: {  	[tilespmem:s21+$0x5010] =	vst v0  }
0x1d: {  	[tilespmem:s21+$0x5020] =	vst v0  }
0x1e: {  	[tilespmem:s21+$0x5030] =	vst v0  }
0x1f: {  	[tilespmem:s21+$0x5040] =	vst v0  }
0x20: {  	[tilespmem:s21+$0x5050] =	vst v0  }
0x21: {  	[tilespmem:s21+$0x5060] =	vst v0  }
0x22: {  	[spmem:s5] =	stream.linear.scatter [tilespmem:s14], [sflag:$0x2], $0x4000, $0x38;
	[tilespmem:$0x1D000] =	vst v63  }
0x23: {  	_ =	swait.ge [sflag:s15], $0x4000  }
0x24: {  	[sflag:s15] =	ssyncset.done $0x0  }
0x25: {  	[sflag:s15] =	ssyncadd.s32 $0xFFFFC000  }
0x26: {  	[spmem:s6] =	stream.linear.scatter [tilespmem:s14], [sflag:$0x2], $0x4000, $0x38;
	[tilespmem:$0x1D000] =	vst v63  }
0x27: {  	_ =	swait.ge [sflag:s15], $0x4000  }
0x28: {  	[sflag:s15] =	ssyncset.done $0x0  }
0x29: {  	[sflag:s15] =	ssyncadd.s32 $0xFFFFC000  }
0x2a: {  	[spmem:s7] =	stream.linear.scatter [tilespmem:s14], [sflag:$0x2], $0x4000, $0x38;
	[tilespmem:$0x1D000] =	vst v63  }
0x2b: {  	_ =	swait.ge [sflag:s15], $0x4000  }
0x2c: {  	[sflag:s15] =	ssyncset.done $0x0  }
0x2d: {  	[sflag:s15] =	ssyncadd.s32 $0xFFFFC000  }
0x2e: {  	[spmem:s8] =	stream.linear.scatter [tilespmem:s14], [sflag:$0x2], $0x4000, $0x38;
	[tilespmem:$0x1D000] =	vst v63  }
0x2f: {  	_ =	swait.ge [sflag:s15], $0x4000  }
0x30: {  	[sflag:s15] =	ssyncset.done $0x0  }
0x31: {  	[sflag:s15] =	ssyncadd.s32 $0xFFFFC000  }
0x32: {  	[spmem:s9] =	stream.linear.scatter [tilespmem:s14], [sflag:$0x2], $0x4000, $0x38;
	[tilespmem:$0x1D000] =	vst v63  }
0x33: {  	_ =	swait.ge [sflag:s15], $0x4000  }
0x34: {  	[sflag:s15] =	ssyncset.done $0x0  }
0x35: {  	s29 =	simm.s32 $0x0;
	[sflag:s15] =	ssyncadd.s32 $0xFFFFC000  }
0x36: {  	[tilespmem:s29], [sflag:$0x2] =	stream.linear.gather [hbm4b:s10+s29], $0x2780, $0x38;
	[tilespmem:$0x1D000] =	vst v63  }
0x37: {  	_ =	swait.ge [sflag:s15], $0x2780  }
0x38: {  	[sflag:s15] =	ssyncset.done $0x0  }
0x39: {  	[sflag:s15] =	ssyncadd.s32 $0xFFFFD880  }
0x3a: {  	[tilespmem:s16], [sflag:$0x2] =	stream.linear.gather [hbm4b:s11+s29], $0x2780, $0x38;
	[tilespmem:$0x1D000] =	vst v63  }
0x3b: {  	_ =	swait.ge [sflag:s15], $0x2780  }
0x3c: {  	[sflag:s15] =	ssyncset.done $0x0  }
0x3d: {  	[sflag:s15] =	ssyncadd.s32 $0xFFFFD880  }
0x3e: {  	s30 =	simm.s32 $0x0;
	[bflag:$0x0] =	sbarrier.arrive $0xFFFF  }
0x3f: {  	[tilespmem:s14], [sflag:$0x1] =	stream.indirect.gather [hbm4b:s1+s17], $0x80, s30, s17, $0xb8;
	[tilespmem:$0x1D000] =	vst v63  }
0x40: {  	_ =	swait.ge [sflag:s18], $0x4000  }
0x41: {  	[sflag:s18] =	ssyncset.done $0x0  }
0x42: {  	s31 =	simm.s32 $0x2800;
	[sflag:s18] =	ssyncadd.s32 $0xFFFFC000  }
0x43: {  	[spmem:s3] =	stream.indirect.scatter.add.f32 [tilespmem:s14], [sflag:$0x2], $0x80, s31, s17, $0xb8;
	[tilespmem:$0x1D000] =	vst v63  }
0x44: {  	_ =	swait.ge [sflag:s15], $0x4000  }
0x45: {  	s21 =	simm.s32 $0x200;
	s22 =	simm.s32 $0x400;
	[sflag:s15] =	ssyncset.done $0x0  }
.LBB2_4:
0x46: {  	s23 =	sshra.s32 s21, $0x2  }
0x47: {  	[sflag:s15] =	ssyncadd.s32 $0xFFFFC000;
	s21 =	smov.u32 s22;
	s24 =	sadd.s32 $0x200, s22  }
0x48: {  	[tilespmem:s14], [sflag:$0x1] =	stream.indirect.gather [hbm4b:s1+s17], $0x80, s23, s17, $0xb8;
	[tilespmem:$0x1D000] =	vst v63  }
0x49: {  	p0 =	sne.s32 s22, $0x9C00;
	_ =	swait.ge [sflag:s18], $0x4000  }
.Ltmp1:
0x4a: {  	[sflag:s18] =	ssyncset.done $0x0;
	(pc) =	sbr.rel @p0 .LBB2_4-.Ltmp1, $4  }
0x4b: {  	s22 =	sadd.s32 $0x2800, s23;
	[sflag:s18] =	ssyncadd.s32 $0xFFFFC000  }
0x4c: {  	[spmem:s3] =	stream.indirect.scatter.add.f32 [tilespmem:s14], [sflag:$0x2], $0x80, s22, s17, $0xb8;
	[tilespmem:$0x1D000] =	vst v63  }
0x4d: {  	_ =	swait.ge [sflag:s15], $0x4000  }
0x4e: {  	s22 =	smov.u32 s24;
	[sflag:s15] =	ssyncset.done $0x0  }
0x4f: {  	s21 =	sshra.s32 s21, $0x2;
	[sflag:s15] =	ssyncadd.s32 $0xFFFFC000  }
0x50: {  	[tilespmem:s14], [sflag:$0x1] =	stream.indirect.gather [hbm4b:s1+s17], $0x80, s21, s17, $0xb8;
	[tilespmem:$0x1D000] =	vst v63  }
0x51: {  	_ =	swait.ge [sflag:s18], $0x4000  }
0x52: {  	[sflag:s18] =	ssyncset.done $0x0  }
0x53: {  	s21 =	sadd.s32 $0x2800, s21;
	[sflag:s18] =	ssyncadd.s32 $0xFFFFC000  }
0x54: {  	[spmem:s3] =	stream.indirect.scatter.add.f32 [tilespmem:s14], [sflag:$0x2], $0x80, s21, s17, $0xb8;
	[tilespmem:$0x1D000] =	vst v63  }
0x55: {  	_ =	swait.ge [sflag:s15], $0x4000  }
0x56: {  	s4 =	sadd.s32 $0x1, s4;
	[sflag:s15] =	ssyncset.done $0x0  }
0x57: {  	p0 =	sne.s32 s4, s13;
	[sflag:s15] =	ssyncadd.s32 $0xFFFFC000  }
.Ltmp2:
0x58: {  	[bflag:$0x0] =	sbarrier.arrive $0xFFFF;
	(pc) =	sbr.rel @p0 .LBB2_1-.Ltmp2, $4  }
0x59: {  	[hbm:s12], [sflag:s19] =	dma.local [spmem:s20], $0x2800  }
0x5a: {  	_ =	swait.ge [sflag:s15], $0x2800  }
0x5b: {  	[sflag:s15] =	ssyncset.done $0x0  }
0x5c: {  	[sflag:s15] =	ssyncadd.s32 $0xFFFFD800  }
0x5d: {  	_ =	sfence.sel $0x180000  }
0x5e: {  	[bflag:$0x0] =	sbarrier.arrive $0xFFFF  }
0x5f: {  	p0 =	sne.s32 s0, $0x0;
	_ =	strace $0x9000004A  }
0x60: {  	s0 =	sadd.s32 @!p0 $0x100000, s2;
	[bflag:$0x2] =	sbarrier.arrive $0xFFFF  }
0x61: {  	[sflag:s0] =	ssyncadd.tile.s32 @!p0 $0x1;
	_ =	shalt  }
.Lfunc_end2:
_tile_overlayer_lowered:
.L_overlay_start_2:
0x62: {  	(tag) =	ssettag $0x2  }
0x63: {  	s0 =	rddreg [dreg:$0x0];
	s2 =	stileid.u32  }
0x64: {  	s1 =	rddreg [dreg:$0x1];
	p0 =	sne.s32 s2, $0x0  }
0x65: {  	s3 =	rddreg [dreg:$0x2];
	[bflag:$0x3] =	sbarrier.arrive $0xFFFF;
	s2 =	simm.s32 @!p0 $0x1C02  }
0x66: {  	[timem:s3], [sflag:s2] =	dma.local @!p0 [hbm:s0], s1  }
0x67: {  	s0 =	simm.s32 @!p0 $0x2  }
0x68: {  	_ =	swait.ge @!p0 [sflag:s0], s1  }
0x69: {  	s1 =	ssub.s32 @!p0 $0x0, s1;
	[sflag:s0] =	ssyncset.done @!p0 $0x0  }
0x6a: {  	[sflag:s0] =	ssyncadd.s32 @!p0 s1  }
0x6b: {  	[bflag:$0x3] =	sbarrier.arrive $0xFFFF  }
0x6c: {  	_ =	shalt  }

// kernel: kernel.16.cloned.1.call-start
scs
__scs_entry_jumppad:
0x0: {  	(pc) =	sbr.rel $0x88, $3  }
0x1: {  	(tag) =	ssettag $0x0;
	lr =	simm.s32 $0x1  }
0x2: {  	[smem:$0x3F99] =	sst lr;
	_ =	strace $0xD0000000  }
0x3: {  	_ = 	snop  }
0x4: {  	_ = 	snop  }
0x5: {  	_ = 	snop  }
0x6: {  	_ = 	snop  }
0x7: {  	_ = 	snop  }
__scs_overlays_trampoline_lowered:
0x8: {  	[smem:$0x3FA8] =	sst s0  }
0x9: {  	[smem:$0x3FA9] =	sst s1  }
0xa: {  	[smem:$0x3FAA] =	sst s2  }
0xb: {  	[smem:$0x3FAB] =	sst s3  }
0xc: {  	[smem:$0x3FAC] =	sst s4  }
0xd: {  	[smem:$0x3FAD] =	sst s5  }
0xe: {  	[smem:$0x3FAE] =	sst s6  }
0xf: {  	[smem:$0x3FAF] =	sst s7  }
0x10: {  	[smem:$0x3FB0] =	sst s8  }
0x11: {  	[smem:$0x3FB1] =	sst s9;
	s0 =	simm.s32 @!p0 $0x0  }
0x12: {  	s1 =	sld [smem:$0x3F97];
	s0 =	simm.s32 @p0 $0x1  }
0x13: {  	[smem:$0x3FB2] =	sst s0;
	s0 =	simm.s32 @!p1 $0x0  }
0x14: {  	s2 =	sld [smem:$0x3F96];
	s0 =	simm.s32 @p1 $0x1  }
0x15: {  	[smem:$0x3FB3] =	sst s0;
	s0 =	simm.s32 @!p2 $0x0  }
0x16: {  	s3 =	sld [smem:$0x3FDB];
	s0 =	simm.s32 @p2 $0x1  }
0x17: {  	s4 =	simm.s32 $0x1BF5;
	[smem:$0x3FB5] =	sst s0  }
0x18: {  	s0 =	sld [smem:$0x3F98];
	_ =	swait.ge [sflag:s4], $0x0  }
0x19: {  	s7 =	sld [smem:$0x3F99]  }
0x1a: {  	s8 =	sadd.s32 $0xFFFFE003, lr  }
0x1b: {  	s9 =	sadd.s32 $0xFFFFFEF7, lr;
	s5 =	simm.s32 $0xFFFFFFFF;
	p2 =	slt.u32 s8, $0xFFFFF086  }
0x1c: {  	p1 =	slt.u32 s9, $0xF7A;
	s5 =	simm.s32 @!p2 $0x0  }
0x1d: {  	s5 =	simm.s32 @p1 $0x1;
	p0 =	seq.s32 s7, s2  }
0x1e: {  	s7 =	smul.u32 @!p0 $0xF7A, s2;
	p2 =	seq.s32 @!p0 s5, $0x0  }
0x1f: {  	s9 =	smul.u32 $0xF7A, s1;
	s8 =	simm.s32 @!p0 $0x1BF5;
	p2 =	por !p2, p0  }
0x20: {  	[sflag:s8] =	ssyncset.s32 @!p0 $0xFFFFF086;
	s6 =	sadd.s32 @!p0 s3, s7;
	s7 =	simm.s32 @!p0 $0x108  }
0x21: {  	s3 =	sadd.s32 s3, s9;
	s6 =	sadd.s32 @!p0 $0x88, s6;
	s7 =	simm.s32 @p2 $0x1082  }
0x22: {  	[simem:s7], [sflag:s8] =	dma.local @!p0 [hbm:s6], $0xF7A  }
0x23: {  	s9 =	sor.u32 $0xD0000000, s2;
	s6 =	simm.s32 $0x108;
	_ =	swait.ge @!p0 [sflag:s8], $0x0  }
0x24: {  	s3 =	sadd.s32 $0x88, s3;
	s6 =	simm.s32 @!p1 $0x1082;
	[sflag:s4] =	ssyncset.s32 $0xFFFFF086  }
0x25: {  	[simem:s6], [sflag:s4] =	dma.local [hbm:s3], $0xF7A  }
0x26: {  	[smem:$0x3F99] =	sst s1;
	(tag) =	ssettag s2;
	_ =	strace s9  }
0x27: {  	s1 =	sld [smem:$0x3FA9]  }
0x28: {  	s2 =	sld [smem:$0x3FAA]  }
0x29: {  	s4 =	sld [smem:$0x3FAC]  }
0x2a: {  	p0 =	seq.s32 s5, $0x0;
	s5 =	sld [smem:$0x3FAD]  }
0x2b: {  	s6 =	sld [smem:$0x3FAE]  }
0x2c: {  	s7 =	sld [smem:$0x3FAF]  }
0x2d: {  	s3 =	simm.s32 $0x108;
	s8 =	sld [smem:$0x3FB0]  }
0x2e: {  	s3 =	simm.s32 @!p0 $0x1082;
	s9 =	sld [smem:$0x3FB1]  }
0x2f: {  	lr =	sadd.s32 s0, s3;
	s0 =	sld [smem:$0x3FA8]  }
0x30: {  	s3 =	sld [smem:$0x3FAB]  }
0x31: {  	[smem:$0x3FB4] =	sst s10  }
0x32: {  	s10 =	sld [smem:$0x3FB2];
	_ =	sdelay $0x3  }
0x33: {  	p0 =	seq.s32 s10, $0x1;
	s10 =	sld [smem:$0x3FB4];
	_ =	sdelay $0x3  }
0x34: {  	[smem:$0x3FB4] =	sst s10  }
0x35: {  	s10 =	sld [smem:$0x3FB3];
	_ =	sdelay $0x3  }
0x36: {  	p1 =	seq.s32 s10, $0x1;
	s10 =	sld [smem:$0x3FB4];
	_ =	sdelay $0x3  }
0x37: {  	[smem:$0x3FB4] =	sst s10  }
0x38: {  	s10 =	sld [smem:$0x3FB5]  }
0x39: {  	_ = 	snop;
	(pc) =	sbr.ind lr, $3  }
0x3a: {  	_ = 	snop  }
0x3b: {  	_ = 	snop  }
0x3c: {  	p2 =	seq.s32 s10, $0x1;
	s10 =	sld [smem:$0x3FB4]  }
0x3d: {  	_ =	shalt  }
0x3e: {  	_ =	shalt  }
0x3f: {  	_ =	shalt  }
0x40: {  	_ =	shalt  }
0x41: {  	_ =	shalt  }
0x42: {  	_ =	shalt  }
0x43: {  	_ =	shalt  }
0x44: {  	_ =	shalt  }
0x45: {  	_ =	shalt  }
0x46: {  	_ =	shalt  }
0x47: {  	_ =	shalt  }
0x48: {  	_ =	shalt  }
0x49: {  	_ =	shalt  }
0x4a: {  	_ =	shalt  }
0x4b: {  	_ =	shalt  }
0x4c: {  	_ =	shalt  }
0x4d: {  	_ =	shalt  }
0x4e: {  	_ =	shalt  }
0x4f: {  	_ =	shalt  }
0x50: {  	_ =	shalt  }
0x51: {  	_ =	shalt  }
0x52: {  	_ =	shalt  }
0x53: {  	_ =	shalt  }
0x54: {  	_ =	shalt  }
0x55: {  	_ =	shalt  }
0x56: {  	_ =	shalt  }
0x57: {  	_ =	shalt  }
0x58: {  	_ =	shalt  }
0x59: {  	_ =	shalt  }
0x5a: {  	_ =	shalt  }
0x5b: {  	_ =	shalt  }
0x5c: {  	_ =	shalt  }
0x5d: {  	_ =	shalt  }
0x5e: {  	_ =	shalt  }
0x5f: {  	_ =	shalt  }
0x60: {  	_ =	shalt  }
0x61: {  	_ =	shalt  }
0x62: {  	_ =	shalt  }
0x63: {  	_ =	shalt  }
0x64: {  	_ =	shalt  }
0x65: {  	_ =	shalt  }
0x66: {  	_ =	shalt  }
0x67: {  	_ =	shalt  }
0x68: {  	_ =	shalt  }
0x69: {  	_ =	shalt  }
0x6a: {  	_ =	shalt  }
0x6b: {  	_ =	shalt  }
0x6c: {  	_ =	shalt  }
0x6d: {  	_ =	shalt  }
0x6e: {  	_ =	shalt  }
0x6f: {  	_ =	shalt  }
0x70: {  	_ =	shalt  }
0x71: {  	_ =	shalt  }
0x72: {  	_ =	shalt  }
0x73: {  	_ =	shalt  }
0x74: {  	_ =	shalt  }
0x75: {  	_ =	shalt  }
0x76: {  	_ =	shalt  }
0x77: {  	_ =	shalt  }
0x78: {  	_ =	shalt  }
0x79: {  	_ =	shalt  }
0x7a: {  	_ =	shalt  }
0x7b: {  	_ =	shalt  }
0x7c: {  	_ =	shalt  }
0x7d: {  	_ =	shalt  }
0x7e: {  	_ =	shalt  }
0x7f: {  	_ =	shalt  }
0x80: {  	_ =	shalt  }
0x81: {  	_ =	shalt  }
0x82: {  	_ =	shalt  }
0x83: {  	_ =	shalt  }
0x84: {  	_ =	shalt  }
0x85: {  	_ =	shalt  }
0x86: {  	_ =	shalt  }
0x87: {  	_ =	shalt  }
.Lfunc_end0:
.L_simem_size_0:
called_computation.2_lowered:
.L_overlay_start_0:
0x88: {  	s2 =	sld [smem:$0x3FD9]  }
0x89: {  	s3 =	sld [smem:$0x3FFE];
	_ =	sdelay $0x1  }
0x8a: {  	s1 =	srdreg.scid  }
0x8b: {  	s0 =	sand.u32 $0x1, s1  }
0x8c: {  	s17 =	sshll.u32 s0, $0xA;
	s2 =	sadd.s32 s3, s2  }
0x8d: {  	s2 =	sadd.s32 s2, s17  }
0x8e: {  	[smem:$0x3FC0] =	sst s2  }
0x8f: {  	_ = 	snop  }
0x90: {  	s2 =	sld [smem:$0x3FD0];
	(tm) =	ssettm $0x1  }
0x91: {  	s18 =	sld [smem:$0x3FFB];
	_ =	sdelay $0x3  }
0x92: {  	_ =	strace s18  }
0x93: {  	s3 =	sld [smem:$0x3FFC];
	_ =	sdelay $0x3  }
0x94: {  	_ =	strace s3  }
0x95: {  	s3 =	sld [smem:$0x3FFD];
	_ =	sdelay $0x3  }
0x96: {  	_ =	strace s3  }
0x97: {  	_ =	strace $0x8FFFFFFF  }
0x98: {  	s19 =	sld [smem:$0x3FDB];
	_ =	sdelay $0x1  }
0x99: {  	s4 =	simm.s32 $_scs_section_size  }
0x9a: {  	s5 =	simm.s32 $_size__tile_overlayer_lowered;
	s6 =	simm.s32 $_tile_overlayer_lowered  }
0x9b: {  	s22 =	simm.s32 $0x1BFF;
	s21 =	sshll.u32 s6, $0x1;
	s3 =	sadd.s32 s4, s19  }
0x9c: {  	s7 =	simm.s32 $0x0;
	s20 =	sshll.u32 s5, $0x1;
	s5 =	sadd.s32 s21, s3  }
0x9d: {  	[timem:s7], [sflag:s22] =	dma.local [hbm:s5], s20  }
0x9e: {  	_ =	swait.ge [sflag:s22], s20  }
0x9f: {  	s4 =	ssub.s32 $0x0, s20;
	[sflag:s22] =	ssyncset.done $0x0  }
0xa0: {  	[sflag:s22] =	ssyncadd.s32 s4;
	_ =	sdelay $0x1  }
0xa1: {  	s23 =	simm.s32 $0x1B8B  }
0xa2: {  	_ =	swait.ge [sflag:s23], $0x1  }
0xa3: {  	[sflag:s23] =	ssyncset.done $0x0  }
0xa4: {  	s25 =	simm.s32 $0x1B8E;
	s24 =	sld [smem:$0x3FFE];
	[sflag:s23] =	ssyncadd.s32 $0xFFFFFFFF  }
0xa5: {  	s26 =	simm.s32 $execute0_lowered;
	[smem:$0x3FD2] =	sst s25  }
0xa6: {  	s5 =	sshll.u32 s26, $0x1;
	_ =	strace $0x8000004C;
	[dreg:$0x1] =	wrdreg $0xFFFFFFFF  }
0xa7: {  	s28 =	simm.s32 $_size_execute0_lowered;
	s3 =	sadd.s32 s3, s5;
	[dreg:$0x0] =	wrdreg $0x0  }
0xa8: {  	s5 =	sshll.u32 s28, $0x1;
	[dreg:$0x2] =	wrdreg s3  }
0xa9: {  	[dreg:$0x3] =	wrdreg s5  }
0xaa: {  	[dreg:$0x4] =	wrdreg $0xC0  }
0xab: {  	_ =	task [dreg:s7], $0x5FFFF  }
0xac: {  	[dreg:$0x1] =	wrdreg $0xFFFFFFFF  }
0xad: {  	[dreg:$0x0] =	wrdreg $0x60  }
0xae: {  	[dreg:$0x2] =	wrdreg s2  }
0xaf: {  	[dreg:$0x3] =	wrdreg s24  }
0xb0: {  	[dreg:$0x4] =	wrdreg $0x90000  }
0xb1: {  	[dreg:$0x5] =	wrdreg $0x9  }
0xb2: {  	_ =	task.clear_ibuf [dreg:s7], $0x6FFFF;
	_ =	strace $0x9000004C  }
0xb3: {  	s29 =	simm.s32 $0x9;
	_ =	strace $0x8000004E  }
0xb4: {  	_ =	swait.ge [sflag:s29], $0x1  }
0xb5: {  	[sflag:s29] =	ssyncadd.s32 $0xFFFFFFFF  }
0xb6: {  	_ =	strace $0x9000004E  }
0xb7: {  	_ =	sfence  }
0xb8: {  	s30 =	sld [smem:$0x0];
	_ =	sdelay $0x2  }
0xb9: {  	s31 =	sshll.u32 s1, $0xD;
	s1 =	sshrl.u32 s1, $0x2  }
0xba: {  	s3 =	sand.u32 $0x4000, s31;
	s1 =	sadd.s32 s1, s30  }
0xbb: {  	s0 =	sor.u32 s3, s0;
	s1 =	sshll.u32 s1, $0x11  }
0xbc: {  	s0 =	sor.u32 s1, s0  }
0xbd: {  	s0 =	sadd.s32 $0x8F2B, s0  }
0xbe: {  	[sflag:s0] =	ssyncadd.remote.s32 $0x1  }
0xbf: {  	_ =	sfence.sel $0xFFFF  }
0xc0: {  	[dreg:$0x0] =	wrdreg $0xFFFFFFFF;
	(pc) =	sbr.abs _section_cstart, $3  }
0xc1: {  	[dreg:$0x1] =	wrdreg $0xFFFFFFFF  }
0xc2: {  	_ =	task.clear_ibuf [dreg:s7], $0x2FFFF;
	_ =	strace $0x9FFFFFFF  }
0xc3: {  	(tm) =	ssettm $0x7FFFFFFF  }
tec
execute0_lowered:
.L_overlay_start_1:
0x0: {  	(tag) =	ssettag $0x1  }
0x1: {  	s1 =	rddreg [dreg:$0x0]  }
0x2: {  	s6 =	rddreg [dreg:$0x1]  }
0x3: {  	s0 =	srdreg.scid;
	s3 =	rddreg [dreg:$0x2]  }
0x4: {  	s2 =	rddreg [dreg:$0x3];
	s5 =	sand.u32 $0x1, s0  }
0x5: {  	s4 =	simm.s32 $0x0;
	s0 =	stileid.u32;
	s7 =	smul.u32 $0x28000, s5  }
0x6: {  	s14 =	simm.s32 $0x5000;
	s15 =	simm.s32 $0x2;
	s8 =	smul.u32 $0x2800, s0  }
0x7: {  	s16 =	simm.s32 $0x2800;
	s17 =	simm.s32 $0x80;
	s9 =	smul.u32 $0x140000, s5  }
0x8: {  	s18 =	simm.s32 $0x1;
	[smem:$0x7FF] =	sst s4;
	s26 =	smul.u32 $0x14000, s0  }
0x9: {  	s10 =	smul.u32 $0x50000, s0;
	s29 =	ssub.s32 $0x2, s5;
	s19 =	sshll.u32 s0, $0x6  }
0xa: {  	_ =	strace $0x8000004D;
	s31 =	sshrl.u32 s29, $0x1;
	s19 =	sor.u32 $0x1C02, s19  }
0xb: {  	s7 =	sadd.s32 s8, s7;
	s28 =	sadd.s32 s26, s9;
	s30 =	sshrl.u32 s10, $0x2  }
0xc: {  	s13 =	ssub.s32 s29, s31;
	s7 =	sshrl.u32 s7, $0x3;
	s5 =	sadd.s32 s30, s3  }
0xd: {  	s13 =	smax.u32 s13, $0x1;
	s11 =	sadd.s32 s7, s6;
	s7 =	sshrl.u32 s28, $0x3  }
0xe: {  	s8 =	sadd.s32 $0xC000, s5;
	s9 =	sadd.s32 $0x10000, s5;
	s20 =	sshrl.u32 s5, $0x3  }
0xf: {  	s12 =	sadd.s32 s7, s6;
	s6 =	sadd.s32 $0x4000, s5;
	s7 =	sadd.s32 $0x8000, s5  }
0x10: {  	v0 =	vimm.f32 $0.0e+00;
	s10 =	sadd.s32 $0x85200, s11;
	s11 =	sadd.s32 $0x3200, s11;
	s12 =	sadd.s32 $0xD200, s12  }
.LBB2_1:
0x11: {  	s21 =	simm.s32 $0x0;
	s22 =	simm.s32 $0x200  }
.LBB2_2:
0x12: {  	p0 =	sne.s32 s22, $0xFE00;
	[tilespmem:s21+$0x5070] =	vst v0  }
0x13: {  	[tilespmem:s21+$0x5000] =	vst v0  }
0x14: {  	[tilespmem:s21+$0x5010] =	vst v0  }
.Ltmp0:
0x15: {  	[tilespmem:s21+$0x5020] =	vst v0;
	(pc) =	sbr.rel @p0 .LBB2_2-.Ltmp0, $4  }
0x16: {  	[tilespmem:s21+$0x5030] =	vst v0  }
0x17: {  	[tilespmem:s21+$0x5040] =	vst v0  }
0x18: {  	[tilespmem:s21+$0x5050] =	vst v0  }
0x19: {  	[tilespmem:s21+$0x5060] =	vst v0;
	s21 =	sshra.s32 s22, $0x2;
	s22 =	sadd.s32 $0x200, s22  }
0x1a: {  	[tilespmem:s21+$0x5070] =	vst v0  }
0x1b: {  	[tilespmem:s21+$0x5000] =	vst v0  }
0x1c: {  	[tilespmem:s21+$0x5010] =	vst v0  }
0x1d: {  	[tilespmem:s21+$0x5020] =	vst v0  }
0x1e: {  	[tilespmem:s21+$0x5030] =	vst v0  }
0x1f: {  	[tilespmem:s21+$0x5040] =	vst v0  }
0x20: {  	[tilespmem:s21+$0x5050] =	vst v0  }
0x21: {  	[tilespmem:s21+$0x5060] =	vst v0  }
0x22: {  	[spmem:s5] =	stream.linear.scatter [tilespmem:s14], [sflag:$0x2], $0x4000, $0x38;
	[tilespmem:$0x1D000] =	vst v63  }
0x23: {  	_ =	swait.ge [sflag:s15], $0x4000  }
0x24: {  	[sflag:s15] =	ssyncset.done $0x0  }
0x25: {  	[sflag:s15] =	ssyncadd.s32 $0xFFFFC000  }
0x26: {  	[spmem:s6] =	stream.linear.scatter [tilespmem:s14], [sflag:$0x2], $0x4000, $0x38;
	[tilespmem:$0x1D000] =	vst v63  }
0x27: {  	_ =	swait.ge [sflag:s15], $0x4000  }
0x28: {  	[sflag:s15] =	ssyncset.done $0x0  }
0x29: {  	[sflag:s15] =	ssyncadd.s32 $0xFFFFC000  }
0x2a: {  	[spmem:s7] =	stream.linear.scatter [tilespmem:s14], [sflag:$0x2], $0x4000, $0x38;
	[tilespmem:$0x1D000] =	vst v63  }
0x2b: {  	_ =	swait.ge [sflag:s15], $0x4000  }
0x2c: {  	[sflag:s15] =	ssyncset.done $0x0  }
0x2d: {  	[sflag:s15] =	ssyncadd.s32 $0xFFFFC000  }
0x2e: {  	[spmem:s8] =	stream.linear.scatter [tilespmem:s14], [sflag:$0x2], $0x4000, $0x38;
	[tilespmem:$0x1D000] =	vst v63  }
0x2f: {  	_ =	swait.ge [sflag:s15], $0x4000  }
0x30: {  	[sflag:s15] =	ssyncset.done $0x0  }
0x31: {  	[sflag:s15] =	ssyncadd.s32 $0xFFFFC000  }
0x32: {  	[spmem:s9] =	stream.linear.scatter [tilespmem:s14], [sflag:$0x2], $0x4000, $0x38;
	[tilespmem:$0x1D000] =	vst v63  }
0x33: {  	_ =	swait.ge [sflag:s15], $0x4000  }
0x34: {  	[sflag:s15] =	ssyncset.done $0x0  }
0x35: {  	s29 =	simm.s32 $0x0;
	[sflag:s15] =	ssyncadd.s32 $0xFFFFC000  }
0x36: {  	[tilespmem:s29], [sflag:$0x2] =	stream.linear.gather [hbm4b:s10+s29], $0x2780, $0x38;
	[tilespmem:$0x1D000] =	vst v63  }
0x37: {  	_ =	swait.ge [sflag:s15], $0x2780  }
0x38: {  	[sflag:s15] =	ssyncset.done $0x0  }
0x39: {  	[sflag:s15] =	ssyncadd.s32 $0xFFFFD880  }
0x3a: {  	[tilespmem:s16], [sflag:$0x2] =	stream.linear.gather [hbm4b:s11+s29], $0x2780, $0x38;
	[tilespmem:$0x1D000] =	vst v63  }
0x3b: {  	_ =	swait.ge [sflag:s15], $0x2780  }
0x3c: {  	[sflag:s15] =	ssyncset.done $0x0  }
0x3d: {  	[sflag:s15] =	ssyncadd.s32 $0xFFFFD880  }
0x3e: {  	s30 =	simm.s32 $0x0;
	[bflag:$0x0] =	sbarrier.arrive $0xFFFF  }
0x3f: {  	[tilespmem:s14], [sflag:$0x1] =	stream.indirect.gather [hbm4b:s1+s17], $0x80, s30, s17, $0xb8;
	[tilespmem:$0x1D000] =	vst v63  }
0x40: {  	_ =	swait.ge [sflag:s18], $0x4000  }
0x41: {  	[sflag:s18] =	ssyncset.done $0x0  }
0x42: {  	s31 =	simm.s32 $0x2800;
	[sflag:s18] =	ssyncadd.s32 $0xFFFFC000  }
0x43: {  	[spmem:s3] =	stream.indirect.scatter.add.f32 [tilespmem:s14], [sflag:$0x2], $0x80, s31, s17, $0xb8;
	[tilespmem:$0x1D000] =	vst v63  }
0x44: {  	_ =	swait.ge [sflag:s15], $0x4000  }
0x45: {  	s21 =	simm.s32 $0x200;
	s22 =	simm.s32 $0x400;
	[sflag:s15] =	ssyncset.done $0x0  }
.LBB2_4:
0x46: {  	s23 =	sshra.s32 s21, $0x2  }
0x47: {  	[sflag:s15] =	ssyncadd.s32 $0xFFFFC000;
	s21 =	smov.u32 s22;
	s24 =	sadd.s32 $0x200, s22  }
0x48: {  	[tilespmem:s14], [sflag:$0x1] =	stream.indirect.gather [hbm4b:s1+s17], $0x80, s23, s17, $0xb8;
	[tilespmem:$0x1D000] =	vst v63  }
0x49: {  	p0 =	sne.s32 s22, $0x9C00;
	_ =	swait.ge [sflag:s18], $0x4000  }
.Ltmp1:
0x4a: {  	[sflag:s18] =	ssyncset.done $0x0;
	(pc) =	sbr.rel @p0 .LBB2_4-.Ltmp1, $4  }
0x4b: {  	s22 =	sadd.s32 $0x2800, s23;
	[sflag:s18] =	ssyncadd.s32 $0xFFFFC000  }
0x4c: {  	[spmem:s3] =	stream.indirect.scatter.add.f32 [tilespmem:s14], [sflag:$0x2], $0x80, s22, s17, $0xb8;
	[tilespmem:$0x1D000] =	vst v63  }
0x4d: {  	_ =	swait.ge [sflag:s15], $0x4000  }
0x4e: {  	s22 =	smov.u32 s24;
	[sflag:s15] =	ssyncset.done $0x0  }
0x4f: {  	s21 =	sshra.s32 s21, $0x2;
	[sflag:s15] =	ssyncadd.s32 $0xFFFFC000  }
0x50: {  	[tilespmem:s14], [sflag:$0x1] =	stream.indirect.gather [hbm4b:s1+s17], $0x80, s21, s17, $0xb8;
	[tilespmem:$0x1D000] =	vst v63  }
0x51: {  	_ =	swait.ge [sflag:s18], $0x4000  }
0x52: {  	[sflag:s18] =	ssyncset.done $0x0  }
0x53: {  	s21 =	sadd.s32 $0x2800, s21;
	[sflag:s18] =	ssyncadd.s32 $0xFFFFC000  }
0x54: {  	[spmem:s3] =	stream.indirect.scatter.add.f32 [tilespmem:s14], [sflag:$0x2], $0x80, s21, s17, $0xb8;
	[tilespmem:$0x1D000] =	vst v63  }
0x55: {  	_ =	swait.ge [sflag:s15], $0x4000  }
0x56: {  	s4 =	sadd.s32 $0x1, s4;
	[sflag:s15] =	ssyncset.done $0x0  }
0x57: {  	p0 =	sne.s32 s4, s13;
	[sflag:s15] =	ssyncadd.s32 $0xFFFFC000  }
.Ltmp2:
0x58: {  	[bflag:$0x0] =	sbarrier.arrive $0xFFFF;
	(pc) =	sbr.rel @p0 .LBB2_1-.Ltmp2, $4  }
0x59: {  	[hbm:s12], [sflag:s19] =	dma.local [spmem:s20], $0x2800  }
0x5a: {  	_ =	swait.ge [sflag:s15], $0x2800  }
0x5b: {  	[sflag:s15] =	ssyncset.done $0x0  }
0x5c: {  	[sflag:s15] =	ssyncadd.s32 $0xFFFFD800  }
0x5d: {  	_ =	sfence.sel $0x180000  }
0x5e: {  	[bflag:$0x0] =	sbarrier.arrive $0xFFFF  }
0x5f: {  	p0 =	sne.s32 s0, $0x0;
	_ =	strace $0x9000004D  }
0x60: {  	s0 =	sadd.s32 @!p0 $0x100000, s2;
	[bflag:$0x2] =	sbarrier.arrive $0xFFFF  }
0x61: {  	[sflag:s0] =	ssyncadd.tile.s32 @!p0 $0x1;
	_ =	shalt  }
.Lfunc_end2:
_tile_overlayer_lowered:
.L_overlay_start_2:
0x62: {  	(tag) =	ssettag $0x2  }
0x63: {  	s0 =	rddreg [dreg:$0x0];
	s2 =	stileid.u32  }
0x64: {  	s1 =	rddreg [dreg:$0x1];
	p0 =	sne.s32 s2, $0x0  }
0x65: {  	s3 =	rddreg [dreg:$0x2];
	[bflag:$0x3] =	sbarrier.arrive $0xFFFF;
	s2 =	simm.s32 @!p0 $0x1C02  }
0x66: {  	[timem:s3], [sflag:s2] =	dma.local @!p0 [hbm:s0], s1  }
0x67: {  	s0 =	simm.s32 @!p0 $0x2  }
0x68: {  	_ =	swait.ge @!p0 [sflag:s0], s1  }
0x69: {  	s1 =	ssub.s32 @!p0 $0x0, s1;
	[sflag:s0] =	ssyncset.done @!p0 $0x0  }
0x6a: {  	[sflag:s0] =	ssyncadd.s32 @!p0 s1  }
0x6b: {  	[bflag:$0x3] =	sbarrier.arrive $0xFFFF  }
0x6c: {  	_ =	shalt  }

// kernel: kernel.19.cloned.1.call-start
scs
__scs_entry_jumppad:
0x0: {  	(pc) =	sbr.rel $0x88, $3  }
0x1: {  	(tag) =	ssettag $0x0;
	lr =	simm.s32 $0x1  }
0x2: {  	[smem:$0x3F99] =	sst lr;
	_ =	strace $0xD0000000  }
0x3: {  	_ = 	snop  }
0x4: {  	_ = 	snop  }
0x5: {  	_ = 	snop  }
0x6: {  	_ = 	snop  }
0x7: {  	_ = 	snop  }
__scs_overlays_trampoline_lowered:
0x8: {  	[smem:$0x3FA8] =	sst s0  }
0x9: {  	[smem:$0x3FA9] =	sst s1  }
0xa: {  	[smem:$0x3FAA] =	sst s2  }
0xb: {  	[smem:$0x3FAB] =	sst s3  }
0xc: {  	[smem:$0x3FAC] =	sst s4  }
0xd: {  	[smem:$0x3FAD] =	sst s5  }
0xe: {  	[smem:$0x3FAE] =	sst s6  }
0xf: {  	[smem:$0x3FAF] =	sst s7  }
0x10: {  	[smem:$0x3FB0] =	sst s8  }
0x11: {  	[smem:$0x3FB1] =	sst s9;
	s0 =	simm.s32 @!p0 $0x0  }
0x12: {  	s1 =	sld [smem:$0x3F97];
	s0 =	simm.s32 @p0 $0x1  }
0x13: {  	[smem:$0x3FB2] =	sst s0;
	s0 =	simm.s32 @!p1 $0x0  }
0x14: {  	s2 =	sld [smem:$0x3F96];
	s0 =	simm.s32 @p1 $0x1  }
0x15: {  	[smem:$0x3FB3] =	sst s0;
	s0 =	simm.s32 @!p2 $0x0  }
0x16: {  	s3 =	sld [smem:$0x3FDB];
	s0 =	simm.s32 @p2 $0x1  }
0x17: {  	s4 =	simm.s32 $0x1BF5;
	[smem:$0x3FB5] =	sst s0  }
0x18: {  	s0 =	sld [smem:$0x3F98];
	_ =	swait.ge [sflag:s4], $0x0  }
0x19: {  	s7 =	sld [smem:$0x3F99]  }
0x1a: {  	s8 =	sadd.s32 $0xFFFFE003, lr  }
0x1b: {  	s9 =	sadd.s32 $0xFFFFFEF7, lr;
	s5 =	simm.s32 $0xFFFFFFFF;
	p2 =	slt.u32 s8, $0xFFFFF086  }
0x1c: {  	p1 =	slt.u32 s9, $0xF7A;
	s5 =	simm.s32 @!p2 $0x0  }
0x1d: {  	s5 =	simm.s32 @p1 $0x1;
	p0 =	seq.s32 s7, s2  }
0x1e: {  	s7 =	smul.u32 @!p0 $0xF7A, s2;
	p2 =	seq.s32 @!p0 s5, $0x0  }
0x1f: {  	s9 =	smul.u32 $0xF7A, s1;
	s8 =	simm.s32 @!p0 $0x1BF5;
	p2 =	por !p2, p0  }
0x20: {  	[sflag:s8] =	ssyncset.s32 @!p0 $0xFFFFF086;
	s6 =	sadd.s32 @!p0 s3, s7;
	s7 =	simm.s32 @!p0 $0x108  }
0x21: {  	s3 =	sadd.s32 s3, s9;
	s6 =	sadd.s32 @!p0 $0x88, s6;
	s7 =	simm.s32 @p2 $0x1082  }
0x22: {  	[simem:s7], [sflag:s8] =	dma.local @!p0 [hbm:s6], $0xF7A  }
0x23: {  	s9 =	sor.u32 $0xD0000000, s2;
	s6 =	simm.s32 $0x108;
	_ =	swait.ge @!p0 [sflag:s8], $0x0  }
0x24: {  	s3 =	sadd.s32 $0x88, s3;
	s6 =	simm.s32 @!p1 $0x1082;
	[sflag:s4] =	ssyncset.s32 $0xFFFFF086  }
0x25: {  	[simem:s6], [sflag:s4] =	dma.local [hbm:s3], $0xF7A  }
0x26: {  	[smem:$0x3F99] =	sst s1;
	(tag) =	ssettag s2;
	_ =	strace s9  }
0x27: {  	s1 =	sld [smem:$0x3FA9]  }
0x28: {  	s2 =	sld [smem:$0x3FAA]  }
0x29: {  	s4 =	sld [smem:$0x3FAC]  }
0x2a: {  	p0 =	seq.s32 s5, $0x0;
	s5 =	sld [smem:$0x3FAD]  }
0x2b: {  	s6 =	sld [smem:$0x3FAE]  }
0x2c: {  	s7 =	sld [smem:$0x3FAF]  }
0x2d: {  	s3 =	simm.s32 $0x108;
	s8 =	sld [smem:$0x3FB0]  }
0x2e: {  	s3 =	simm.s32 @!p0 $0x1082;
	s9 =	sld [smem:$0x3FB1]  }
0x2f: {  	lr =	sadd.s32 s0, s3;
	s0 =	sld [smem:$0x3FA8]  }
0x30: {  	s3 =	sld [smem:$0x3FAB]  }
0x31: {  	[smem:$0x3FB4] =	sst s10  }
0x32: {  	s10 =	sld [smem:$0x3FB2];
	_ =	sdelay $0x3  }
0x33: {  	p0 =	seq.s32 s10, $0x1;
	s10 =	sld [smem:$0x3FB4];
	_ =	sdelay $0x3  }
0x34: {  	[smem:$0x3FB4] =	sst s10  }
0x35: {  	s10 =	sld [smem:$0x3FB3];
	_ =	sdelay $0x3  }
0x36: {  	p1 =	seq.s32 s10, $0x1;
	s10 =	sld [smem:$0x3FB4];
	_ =	sdelay $0x3  }
0x37: {  	[smem:$0x3FB4] =	sst s10  }
0x38: {  	s10 =	sld [smem:$0x3FB5]  }
0x39: {  	_ = 	snop;
	(pc) =	sbr.ind lr, $3  }
0x3a: {  	_ = 	snop  }
0x3b: {  	_ = 	snop  }
0x3c: {  	p2 =	seq.s32 s10, $0x1;
	s10 =	sld [smem:$0x3FB4]  }
0x3d: {  	_ =	shalt  }
0x3e: {  	_ =	shalt  }
0x3f: {  	_ =	shalt  }
0x40: {  	_ =	shalt  }
0x41: {  	_ =	shalt  }
0x42: {  	_ =	shalt  }
0x43: {  	_ =	shalt  }
0x44: {  	_ =	shalt  }
0x45: {  	_ =	shalt  }
0x46: {  	_ =	shalt  }
0x47: {  	_ =	shalt  }
0x48: {  	_ =	shalt  }
0x49: {  	_ =	shalt  }
0x4a: {  	_ =	shalt  }
0x4b: {  	_ =	shalt  }
0x4c: {  	_ =	shalt  }
0x4d: {  	_ =	shalt  }
0x4e: {  	_ =	shalt  }
0x4f: {  	_ =	shalt  }
0x50: {  	_ =	shalt  }
0x51: {  	_ =	shalt  }
0x52: {  	_ =	shalt  }
0x53: {  	_ =	shalt  }
0x54: {  	_ =	shalt  }
0x55: {  	_ =	shalt  }
0x56: {  	_ =	shalt  }
0x57: {  	_ =	shalt  }
0x58: {  	_ =	shalt  }
0x59: {  	_ =	shalt  }
0x5a: {  	_ =	shalt  }
0x5b: {  	_ =	shalt  }
0x5c: {  	_ =	shalt  }
0x5d: {  	_ =	shalt  }
0x5e: {  	_ =	shalt  }
0x5f: {  	_ =	shalt  }
0x60: {  	_ =	shalt  }
0x61: {  	_ =	shalt  }
0x62: {  	_ =	shalt  }
0x63: {  	_ =	shalt  }
0x64: {  	_ =	shalt  }
0x65: {  	_ =	shalt  }
0x66: {  	_ =	shalt  }
0x67: {  	_ =	shalt  }
0x68: {  	_ =	shalt  }
0x69: {  	_ =	shalt  }
0x6a: {  	_ =	shalt  }
0x6b: {  	_ =	shalt  }
0x6c: {  	_ =	shalt  }
0x6d: {  	_ =	shalt  }
0x6e: {  	_ =	shalt  }
0x6f: {  	_ =	shalt  }
0x70: {  	_ =	shalt  }
0x71: {  	_ =	shalt  }
0x72: {  	_ =	shalt  }
0x73: {  	_ =	shalt  }
0x74: {  	_ =	shalt  }
0x75: {  	_ =	shalt  }
0x76: {  	_ =	shalt  }
0x77: {  	_ =	shalt  }
0x78: {  	_ =	shalt  }
0x79: {  	_ =	shalt  }
0x7a: {  	_ =	shalt  }
0x7b: {  	_ =	shalt  }
0x7c: {  	_ =	shalt  }
0x7d: {  	_ =	shalt  }
0x7e: {  	_ =	shalt  }
0x7f: {  	_ =	shalt  }
0x80: {  	_ =	shalt  }
0x81: {  	_ =	shalt  }
0x82: {  	_ =	shalt  }
0x83: {  	_ =	shalt  }
0x84: {  	_ =	shalt  }
0x85: {  	_ =	shalt  }
0x86: {  	_ =	shalt  }
0x87: {  	_ =	shalt  }
.Lfunc_end0:
.L_simem_size_0:
called_computation.3_lowered:
.L_overlay_start_0:
0x88: {  	s2 =	sld [smem:$0x3FD9]  }
0x89: {  	s3 =	sld [smem:$0x3FFE];
	_ =	sdelay $0x1  }
0x8a: {  	s1 =	srdreg.scid  }
0x8b: {  	s0 =	sand.u32 $0x1, s1  }
0x8c: {  	s17 =	sshll.u32 s0, $0xA;
	s2 =	sadd.s32 s3, s2  }
0x8d: {  	s2 =	sadd.s32 s2, s17  }
0x8e: {  	[smem:$0x3FC0] =	sst s2  }
0x8f: {  	_ = 	snop  }
0x90: {  	s2 =	sld [smem:$0x3FD0];
	(tm) =	ssettm $0x1  }
0x91: {  	s18 =	sld [smem:$0x3FFB];
	_ =	sdelay $0x3  }
0x92: {  	_ =	strace s18  }
0x93: {  	s3 =	sld [smem:$0x3FFC];
	_ =	sdelay $0x3  }
0x94: {  	_ =	strace s3  }
0x95: {  	s3 =	sld [smem:$0x3FFD];
	_ =	sdelay $0x3  }
0x96: {  	_ =	strace s3  }
0x97: {  	_ =	strace $0x8FFFFFFF  }
0x98: {  	s19 =	sld [smem:$0x3FDB];
	_ =	sdelay $0x1  }
0x99: {  	s4 =	simm.s32 $_scs_section_size  }
0x9a: {  	s5 =	simm.s32 $_size__tile_overlayer_lowered;
	s6 =	simm.s32 $_tile_overlayer_lowered  }
0x9b: {  	s22 =	simm.s32 $0x1BFF;
	s21 =	sshll.u32 s6, $0x1;
	s3 =	sadd.s32 s4, s19  }
0x9c: {  	s7 =	simm.s32 $0x0;
	s20 =	sshll.u32 s5, $0x1;
	s5 =	sadd.s32 s21, s3  }
0x9d: {  	[timem:s7], [sflag:s22] =	dma.local [hbm:s5], s20  }
0x9e: {  	_ =	swait.ge [sflag:s22], s20  }
0x9f: {  	s4 =	ssub.s32 $0x0, s20;
	[sflag:s22] =	ssyncset.done $0x0  }
0xa0: {  	[sflag:s22] =	ssyncadd.s32 s4;
	_ =	sdelay $0x1  }
0xa1: {  	s23 =	simm.s32 $0x1B8B  }
0xa2: {  	_ =	swait.ge [sflag:s23], $0x1  }
0xa3: {  	[sflag:s23] =	ssyncset.done $0x0  }
0xa4: {  	s25 =	simm.s32 $0x1B8E;
	s24 =	sld [smem:$0x3FFE];
	[sflag:s23] =	ssyncadd.s32 $0xFFFFFFFF  }
0xa5: {  	s26 =	simm.s32 $execute0_lowered;
	[smem:$0x3FD2] =	sst s25  }
0xa6: {  	s5 =	sshll.u32 s26, $0x1;
	_ =	strace $0x8000004F;
	[dreg:$0x1] =	wrdreg $0xFFFFFFFF  }
0xa7: {  	s28 =	simm.s32 $_size_execute0_lowered;
	s3 =	sadd.s32 s3, s5;
	[dreg:$0x0] =	wrdreg $0x0  }
0xa8: {  	s5 =	sshll.u32 s28, $0x1;
	[dreg:$0x2] =	wrdreg s3  }
0xa9: {  	[dreg:$0x3] =	wrdreg s5  }
0xaa: {  	[dreg:$0x4] =	wrdreg $0xC0  }
0xab: {  	_ =	task [dreg:s7], $0x5FFFF  }
0xac: {  	[dreg:$0x1] =	wrdreg $0xFFFFFFFF  }
0xad: {  	[dreg:$0x0] =	wrdreg $0x60  }
0xae: {  	[dreg:$0x2] =	wrdreg s2  }
0xaf: {  	[dreg:$0x3] =	wrdreg s24  }
0xb0: {  	[dreg:$0x4] =	wrdreg $0x90000  }
0xb1: {  	[dreg:$0x5] =	wrdreg $0x9  }
0xb2: {  	_ =	task.clear_ibuf [dreg:s7], $0x6FFFF;
	_ =	strace $0x9000004F  }
0xb3: {  	s29 =	simm.s32 $0x9;
	_ =	strace $0x80000051  }
0xb4: {  	_ =	swait.ge [sflag:s29], $0x1  }
0xb5: {  	[sflag:s29] =	ssyncadd.s32 $0xFFFFFFFF  }
0xb6: {  	_ =	strace $0x90000051  }
0xb7: {  	_ =	sfence  }
0xb8: {  	s30 =	sld [smem:$0x0];
	_ =	sdelay $0x2  }
0xb9: {  	s31 =	sshll.u32 s1, $0xD;
	s1 =	sshrl.u32 s1, $0x2  }
0xba: {  	s3 =	sand.u32 $0x4000, s31;
	s1 =	sadd.s32 s1, s30  }
0xbb: {  	s0 =	sor.u32 s3, s0;
	s1 =	sshll.u32 s1, $0x11  }
0xbc: {  	s0 =	sor.u32 s1, s0  }
0xbd: {  	s0 =	sadd.s32 $0x8F2B, s0  }
0xbe: {  	[sflag:s0] =	ssyncadd.remote.s32 $0x1  }
0xbf: {  	_ =	sfence.sel $0xFFFF  }
0xc0: {  	[dreg:$0x0] =	wrdreg $0xFFFFFFFF;
	(pc) =	sbr.abs _section_cstart, $3  }
0xc1: {  	[dreg:$0x1] =	wrdreg $0xFFFFFFFF  }
0xc2: {  	_ =	task.clear_ibuf [dreg:s7], $0x2FFFF;
	_ =	strace $0x9FFFFFFF  }
0xc3: {  	(tm) =	ssettm $0x7FFFFFFF  }
tec
execute0_lowered:
.L_overlay_start_1:
0x0: {  	(tag) =	ssettag $0x1  }
0x1: {  	s1 =	rddreg [dreg:$0x0]  }
0x2: {  	s6 =	rddreg [dreg:$0x1]  }
0x3: {  	s0 =	srdreg.scid;
	s3 =	rddreg [dreg:$0x2]  }
0x4: {  	s2 =	rddreg [dreg:$0x3];
	s5 =	sand.u32 $0x1, s0  }
0x5: {  	s4 =	simm.s32 $0x0;
	s0 =	stileid.u32;
	s7 =	smul.u32 $0x28000, s5  }
0x6: {  	s14 =	simm.s32 $0x5000;
	s15 =	simm.s32 $0x2;
	s8 =	smul.u32 $0x2800, s0  }
0x7: {  	s16 =	simm.s32 $0x2800;
	s17 =	simm.s32 $0x80;
	s9 =	smul.u32 $0x140000, s5  }
0x8: {  	s18 =	simm.s32 $0x1;
	[smem:$0x7FF] =	sst s4;
	s26 =	smul.u32 $0x14000, s0  }
0x9: {  	s10 =	smul.u32 $0x50000, s0;
	s29 =	ssub.s32 $0x2, s5;
	s19 =	sshll.u32 s0, $0x6  }
0xa: {  	_ =	strace $0x80000050;
	s31 =	sshrl.u32 s29, $0x1;
	s19 =	sor.u32 $0x1C02, s19  }
0xb: {  	s7 =	sadd.s32 s8, s7;
	s28 =	sadd.s32 s26, s9;
	s30 =	sshrl.u32 s10, $0x2  }
0xc: {  	s13 =	ssub.s32 s29, s31;
	s7 =	sshrl.u32 s7, $0x3;
	s5 =	sadd.s32 s30, s3  }
0xd: {  	s13 =	smax.u32 s13, $0x1;
	s11 =	sadd.s32 s7, s6;
	s7 =	sshrl.u32 s28, $0x3  }
0xe: {  	s8 =	sadd.s32 $0xC000, s5;
	s9 =	sadd.s32 $0x10000, s5;
	s20 =	sshrl.u32 s5, $0x3  }
0xf: {  	s12 =	sadd.s32 s7, s6;
	s6 =	sadd.s32 $0x4000, s5;
	s7 =	sadd.s32 $0x8000, s5  }
0x10: {  	v0 =	vimm.f32 $0.0e+00;
	s10 =	sadd.s32 $0x85200, s11;
	s11 =	sadd.s32 $0x3200, s11;
	s12 =	sadd.s32 $0xD200, s12  }
.LBB2_1:
0x11: {  	s21 =	simm.s32 $0x0;
	s22 =	simm.s32 $0x200  }
.LBB2_2:
0x12: {  	p0 =	sne.s32 s22, $0xFE00;
	[tilespmem:s21+$0x5070] =	vst v0  }
0x13: {  	[tilespmem:s21+$0x5000] =	vst v0  }
0x14: {  	[tilespmem:s21+$0x5010] =	vst v0  }
.Ltmp0:
0x15: {  	[tilespmem:s21+$0x5020] =	vst v0;
	(pc) =	sbr.rel @p0 .LBB2_2-.Ltmp0, $4  }
0x16: {  	[tilespmem:s21+$0x5030] =	vst v0  }
0x17: {  	[tilespmem:s21+$0x5040] =	vst v0  }
0x18: {  	[tilespmem:s21+$0x5050] =	vst v0  }
0x19: {  	[tilespmem:s21+$0x5060] =	vst v0;
	s21 =	sshra.s32 s22, $0x2;
	s22 =	sadd.s32 $0x200, s22  }
0x1a: {  	[tilespmem:s21+$0x5070] =	vst v0  }
0x1b: {  	[tilespmem:s21+$0x5000] =	vst v0  }
0x1c: {  	[tilespmem:s21+$0x5010] =	vst v0  }
0x1d: {  	[tilespmem:s21+$0x5020] =	vst v0  }
0x1e: {  	[tilespmem:s21+$0x5030] =	vst v0  }
0x1f: {  	[tilespmem:s21+$0x5040] =	vst v0  }
0x20: {  	[tilespmem:s21+$0x5050] =	vst v0  }
0x21: {  	[tilespmem:s21+$0x5060] =	vst v0  }
0x22: {  	[spmem:s5] =	stream.linear.scatter [tilespmem:s14], [sflag:$0x2], $0x4000, $0x38;
	[tilespmem:$0x1D000] =	vst v63  }
0x23: {  	_ =	swait.ge [sflag:s15], $0x4000  }
0x24: {  	[sflag:s15] =	ssyncset.done $0x0  }
0x25: {  	[sflag:s15] =	ssyncadd.s32 $0xFFFFC000  }
0x26: {  	[spmem:s6] =	stream.linear.scatter [tilespmem:s14], [sflag:$0x2], $0x4000, $0x38;
	[tilespmem:$0x1D000] =	vst v63  }
0x27: {  	_ =	swait.ge [sflag:s15], $0x4000  }
0x28: {  	[sflag:s15] =	ssyncset.done $0x0  }
0x29: {  	[sflag:s15] =	ssyncadd.s32 $0xFFFFC000  }
0x2a: {  	[spmem:s7] =	stream.linear.scatter [tilespmem:s14], [sflag:$0x2], $0x4000, $0x38;
	[tilespmem:$0x1D000] =	vst v63  }
0x2b: {  	_ =	swait.ge [sflag:s15], $0x4000  }
0x2c: {  	[sflag:s15] =	ssyncset.done $0x0  }
0x2d: {  	[sflag:s15] =	ssyncadd.s32 $0xFFFFC000  }
0x2e: {  	[spmem:s8] =	stream.linear.scatter [tilespmem:s14], [sflag:$0x2], $0x4000, $0x38;
	[tilespmem:$0x1D000] =	vst v63  }
0x2f: {  	_ =	swait.ge [sflag:s15], $0x4000  }
0x30: {  	[sflag:s15] =	ssyncset.done $0x0  }
0x31: {  	[sflag:s15] =	ssyncadd.s32 $0xFFFFC000  }
0x32: {  	[spmem:s9] =	stream.linear.scatter [tilespmem:s14], [sflag:$0x2], $0x4000, $0x38;
	[tilespmem:$0x1D000] =	vst v63  }
0x33: {  	_ =	swait.ge [sflag:s15], $0x4000  }
0x34: {  	[sflag:s15] =	ssyncset.done $0x0  }
0x35: {  	s29 =	simm.s32 $0x0;
	[sflag:s15] =	ssyncadd.s32 $0xFFFFC000  }
0x36: {  	[tilespmem:s29], [sflag:$0x2] =	stream.linear.gather [hbm4b:s10+s29], $0x2780, $0x38;
	[tilespmem:$0x1D000] =	vst v63  }
0x37: {  	_ =	swait.ge [sflag:s15], $0x2780  }
0x38: {  	[sflag:s15] =	ssyncset.done $0x0  }
0x39: {  	[sflag:s15] =	ssyncadd.s32 $0xFFFFD880  }
0x3a: {  	[tilespmem:s16], [sflag:$0x2] =	stream.linear.gather [hbm4b:s11+s29], $0x2780, $0x38;
	[tilespmem:$0x1D000] =	vst v63  }
0x3b: {  	_ =	swait.ge [sflag:s15], $0x2780  }
0x3c: {  	[sflag:s15] =	ssyncset.done $0x0  }
0x3d: {  	[sflag:s15] =	ssyncadd.s32 $0xFFFFD880  }
0x3e: {  	s30 =	simm.s32 $0x0;
	[bflag:$0x0] =	sbarrier.arrive $0xFFFF  }
0x3f: {  	[tilespmem:s14], [sflag:$0x1] =	stream.indirect.gather [hbm4b:s1+s17], $0x80, s30, s17, $0xb8;
	[tilespmem:$0x1D000] =	vst v63  }
0x40: {  	_ =	swait.ge [sflag:s18], $0x4000  }
0x41: {  	[sflag:s18] =	ssyncset.done $0x0  }
0x42: {  	s31 =	simm.s32 $0x2800;
	[sflag:s18] =	ssyncadd.s32 $0xFFFFC000  }
0x43: {  	[spmem:s3] =	stream.indirect.scatter.add.f32 [tilespmem:s14], [sflag:$0x2], $0x80, s31, s17, $0xb8;
	[tilespmem:$0x1D000] =	vst v63  }
0x44: {  	_ =	swait.ge [sflag:s15], $0x4000  }
0x45: {  	s21 =	simm.s32 $0x200;
	s22 =	simm.s32 $0x400;
	[sflag:s15] =	ssyncset.done $0x0  }
.LBB2_4:
0x46: {  	s23 =	sshra.s32 s21, $0x2  }
0x47: {  	[sflag:s15] =	ssyncadd.s32 $0xFFFFC000;
	s21 =	smov.u32 s22;
	s24 =	sadd.s32 $0x200, s22  }
0x48: {  	[tilespmem:s14], [sflag:$0x1] =	stream.indirect.gather [hbm4b:s1+s17], $0x80, s23, s17, $0xb8;
	[tilespmem:$0x1D000] =	vst v63  }
0x49: {  	p0 =	sne.s32 s22, $0x9C00;
	_ =	swait.ge [sflag:s18], $0x4000  }
.Ltmp1:
0x4a: {  	[sflag:s18] =	ssyncset.done $0x0;
	(pc) =	sbr.rel @p0 .LBB2_4-.Ltmp1, $4  }
0x4b: {  	s22 =	sadd.s32 $0x2800, s23;
	[sflag:s18] =	ssyncadd.s32 $0xFFFFC000  }
0x4c: {  	[spmem:s3] =	stream.indirect.scatter.add.f32 [tilespmem:s14], [sflag:$0x2], $0x80, s22, s17, $0xb8;
	[tilespmem:$0x1D000] =	vst v63  }
0x4d: {  	_ =	swait.ge [sflag:s15], $0x4000  }
0x4e: {  	s22 =	smov.u32 s24;
	[sflag:s15] =	ssyncset.done $0x0  }
0x4f: {  	s21 =	sshra.s32 s21, $0x2;
	[sflag:s15] =	ssyncadd.s32 $0xFFFFC000  }
0x50: {  	[tilespmem:s14], [sflag:$0x1] =	stream.indirect.gather [hbm4b:s1+s17], $0x80, s21, s17, $0xb8;
	[tilespmem:$0x1D000] =	vst v63  }
0x51: {  	_ =	swait.ge [sflag:s18], $0x4000  }
0x52: {  	[sflag:s18] =	ssyncset.done $0x0  }
0x53: {  	s21 =	sadd.s32 $0x2800, s21;
	[sflag:s18] =	ssyncadd.s32 $0xFFFFC000  }
0x54: {  	[spmem:s3] =	stream.indirect.scatter.add.f32 [tilespmem:s14], [sflag:$0x2], $0x80, s21, s17, $0xb8;
	[tilespmem:$0x1D000] =	vst v63  }
0x55: {  	_ =	swait.ge [sflag:s15], $0x4000  }
0x56: {  	s4 =	sadd.s32 $0x1, s4;
	[sflag:s15] =	ssyncset.done $0x0  }
0x57: {  	p0 =	sne.s32 s4, s13;
	[sflag:s15] =	ssyncadd.s32 $0xFFFFC000  }
.Ltmp2:
0x58: {  	[bflag:$0x0] =	sbarrier.arrive $0xFFFF;
	(pc) =	sbr.rel @p0 .LBB2_1-.Ltmp2, $4  }
0x59: {  	[hbm:s12], [sflag:s19] =	dma.local [spmem:s20], $0x2800  }
0x5a: {  	_ =	swait.ge [sflag:s15], $0x2800  }
0x5b: {  	[sflag:s15] =	ssyncset.done $0x0  }
0x5c: {  	[sflag:s15] =	ssyncadd.s32 $0xFFFFD800  }
0x5d: {  	_ =	sfence.sel $0x180000  }
0x5e: {  	[bflag:$0x0] =	sbarrier.arrive $0xFFFF  }
0x5f: {  	p0 =	sne.s32 s0, $0x0;
	_ =	strace $0x90000050  }
0x60: {  	s0 =	sadd.s32 @!p0 $0x100000, s2;
	[bflag:$0x2] =	sbarrier.arrive $0xFFFF  }
0x61: {  	[sflag:s0] =	ssyncadd.tile.s32 @!p0 $0x1;
	_ =	shalt  }
.Lfunc_end2:
_tile_overlayer_lowered:
.L_overlay_start_2:
0x62: {  	(tag) =	ssettag $0x2  }
0x63: {  	s0 =	rddreg [dreg:$0x0];
	s2 =	stileid.u32  }
0x64: {  	s1 =	rddreg [dreg:$0x1];
	p0 =	sne.s32 s2, $0x0  }
0x65: {  	s3 =	rddreg [dreg:$0x2];
	[bflag:$0x3] =	sbarrier.arrive $0xFFFF;
	s2 =	simm.s32 @!p0 $0x1C02  }
0x66: {  	[timem:s3], [sflag:s2] =	dma.local @!p0 [hbm:s0], s1  }
0x67: {  	s0 =	simm.s32 @!p0 $0x2  }
0x68: {  	_ =	swait.ge @!p0 [sflag:s0], s1  }
0x69: {  	s1 =	ssub.s32 @!p0 $0x0, s1;
	[sflag:s0] =	ssyncset.done @!p0 $0x0  }
0x6a: {  	[sflag:s0] =	ssyncadd.s32 @!p0 s1  }
0x6b: {  	[bflag:$0x3] =	sbarrier.arrive $0xFFFF  }
0x6c: {  	_ =	shalt  }

</sc_bundles>
